<compile_context>
chip_gen: v7x
topology: tpu7x:2x2x1
jax: 0.10.2.dev20260603
libtpu: 0.0.44.dev20260713+nightly
codegen_flags: <defaults>
</compile_context>

<pallas_src>
import functools

import jax
import jax.numpy as jnp
from jax import lax
from jax.experimental import pallas as pl
from jax.experimental.pallas import tpu as pltpu
from jax.experimental.pallas import tpu_sc as plsc

_NC = 2
_NS = 16
_NW = _NC * _NS

_TB = 384


_SP = 40


def _router_book_body(x_ref, rw_ref, dst_ref, sp_ref):
    t, e = x_ref.shape[0], rw_ref.shape[0]
    logits = lax.dot_general(
        x_ref[...], rw_ref[...], (((1,), (1,)), ((), ())),
        preferred_element_type=jnp.float32,
    )
    m = jnp.max(logits, axis=1, keepdims=True)
    ids = lax.broadcasted_iota(jnp.int32, (t, e), 1)
    picked = jnp.where(logits == m, ids, e)
    eidx = jnp.min(picked, axis=1, keepdims=True)
    oh = (ids == eidx).astype(jnp.int32)
    c = oh
    k = 1
    while k < t:
        c = c + jnp.concatenate(
            [jnp.zeros((k, e), jnp.int32), c[: t - k, :]], axis=0)
        k *= 2
    counts = c[t - 1: t, :]
    nblk = (counts + (_TB - 1)) // _TB
    inc = nblk
    k = 1
    while k < e:
        inc = inc + jnp.concatenate(
            [jnp.zeros((1, k), jnp.int32), inc[:, : e - k]], axis=1)
        k *= 2
    blk_start = inc - nblk
    total = inc[:, e - 1: e]
    rank = jnp.sum((c - 1) * oh, axis=1, keepdims=True)
    dst_ref[...] = (jnp.sum(oh * jnp.broadcast_to(blk_start, (t, e)),
                            axis=1, keepdims=True) * _TB + rank)
    jb = lax.broadcasted_iota(jnp.int32, (_SP, e), 0) - 1
    ge = (jb >= jnp.broadcast_to(blk_start, (_SP, e))).astype(jnp.int32)
    be = jnp.clip(jnp.sum(ge, axis=1, keepdims=True) - 1, 0, e - 1)
    row = lax.broadcasted_iota(jnp.int32, (_SP, 1), 0)
    sp_ref[...] = jnp.where(row == 0,
                            jnp.broadcast_to(total, (_SP, 1)), be)


def _moe_body(sp_ref, xp_ref, wg_ref, wu_ref, wd_ref, out_ref):
    @pl.when(pl.program_id(0) < sp_ref[0, 0])
    def _():
        xb = xp_ref[...]
        g = lax.dot_general(xb, wg_ref[0], (((1,), (1,)), ((), ())),
                            preferred_element_type=jnp.float32)
        u = lax.dot_general(xb, wu_ref[0], (((1,), (1,)), ((), ())),
                            preferred_element_type=jnp.float32)
        hmid = jnp.square(jnp.maximum(g, 0.0)) * u
        out_ref[...] = lax.dot_general(hmid, wd_ref[0],
                                       (((1,), (1,)), ((), ())),
                                       preferred_element_type=jnp.float32)


def kernel(x, router_w, Wg, Wu, Wd):
    b, s, hdim = x.shape
    e, d, _ = Wg.shape
    t = b * s
    xf = x.reshape(t, hdim)

    nb = t // _TB + e
    p = nb * _TB
    dst, sp = pl.pallas_call(
        _router_book_body,
        out_shape=(jax.ShapeDtypeStruct((t, 1), jnp.int32),
                   jax.ShapeDtypeStruct((_SP, 1), jnp.int32)),
    )(xf, router_w)
    bpw = t // _NW
    dst2 = dst.reshape(_NW, bpw)

    mesh = plsc.VectorSubcoreMesh(core_axis_name="c", subcore_axis_name="s")

    @functools.partial(
        pl.kernel, mesh=mesh,
        out_type=jax.ShapeDtypeStruct((p, hdim), jnp.float32),
        scratch_types=[
            pltpu.VMEM((bpw,), jnp.int32),
            pltpu.VMEM((bpw, hdim), jnp.float32),
            pltpu.SemaphoreType.DMA,
        ],
    )
    def _dispatch(xf_hbm, dst_hbm, xp_hbm, idx_v, rows_v, sem):
        wid = lax.axis_index("s") * _NC + lax.axis_index("c")
        pltpu.sync_copy(dst_hbm.at[wid], idx_v)
        pltpu.sync_copy(xf_hbm.at[pl.ds(wid * bpw, bpw)], rows_v)
        pltpu.async_copy(rows_v, xp_hbm.at[idx_v], sem).wait()

    xp = _dispatch(xf, dst2)

    grid_spec = pltpu.PrefetchScalarGridSpec(
        num_scalar_prefetch=1,
        grid=(nb,),
        in_specs=[
            pl.BlockSpec((_TB, hdim),
                         lambda i, sp: (jnp.minimum(i, sp[0, 0] - 1), 0)),
            pl.BlockSpec((1, d, hdim), lambda i, sp: (sp[i + 1, 0], 0, 0)),
            pl.BlockSpec((1, d, hdim), lambda i, sp: (sp[i + 1, 0], 0, 0)),
            pl.BlockSpec((1, hdim, d), lambda i, sp: (sp[i + 1, 0], 0, 0)),
        ],
        out_specs=pl.BlockSpec((_TB, hdim),
                               lambda i, sp: (jnp.minimum(i, sp[0, 0] - 1), 0)),
    )
    out_p = pl.pallas_call(
        _moe_body,
        grid_spec=grid_spec,
        out_shape=jax.ShapeDtypeStruct((p, hdim), jnp.float32),
    )(sp, xp, Wg, Wu, Wd)

    @functools.partial(
        pl.kernel, mesh=mesh,
        out_type=jax.ShapeDtypeStruct((t, hdim), jnp.float32),
        scratch_types=[
            pltpu.VMEM((bpw,), jnp.int32),
            pltpu.VMEM((bpw, hdim), jnp.float32),
            pltpu.SemaphoreType.DMA,
        ],
    )
    def _combine(outp_hbm, dst_hbm, out_hbm, idx_v, rows_v, sem):
        wid = lax.axis_index("s") * _NC + lax.axis_index("c")
        pltpu.sync_copy(dst_hbm.at[wid], idx_v)
        pltpu.async_copy(outp_hbm.at[idx_v], rows_v, sem).wait()
        pltpu.sync_copy(rows_v, out_hbm.at[pl.ds(wid * bpw, bpw)])

    out = _combine(out_p, dst2)
    return out.reshape(b, s, hdim)

# --- scband reference (transcript-rebuilt; emitter-appended) ---
"""Pipeline reference for scband-omega-mo-elayer-26130581029532 (READ-ONLY COPY).

The authoritative reference and input builder live on the scoring server;
editing this copy changes nothing except your own understanding.
"""

import jax, jax.numpy as jnp
import numpy as np

B, S, H = 1, 2048, 1024
E = 8
D = 512  # expert intermediate = intermediate_size // expert_intermediate_ratio = 4096 // 8


def setup_inputs(seed: int = 0) -> dict:
    key = jax.random.key(seed)
    k_x, k_r, k_g, k_u, k_d = jax.random.split(key, 5)
    x = jax.random.normal(k_x, (B, S, H), dtype=jnp.float32)
    # router gate: nn.Linear(H, E, bias=False) -> weight [E, H]
    router_w = jax.random.normal(k_r, (E, H), dtype=jnp.float32) * (1.0 / np.sqrt(H))
    # per-expert BitLinear weights (treated as dense linear, bias=False)
    Wg = jax.random.normal(k_g, (E, D, H), dtype=jnp.float32) * (1.0 / np.sqrt(H))  # gate_proj
    Wu = jax.random.normal(k_u, (E, D, H), dtype=jnp.float32) * (1.0 / np.sqrt(H))  # up_proj
    Wd = jax.random.normal(k_d, (E, H, D), dtype=jnp.float32) * (1.0 / np.sqrt(D))  # down_proj
    return {"x": x, "router_w": router_w, "Wg": Wg, "Wu": Wu, "Wd": Wd}


def reference(x, router_w, Wg, Wu, Wd):
    b, s, h = x.shape
    xf = x.reshape(-1, h)                      # [T, H]
    logits = xf @ router_w.T                   # [T, E]
    eidx = jnp.argmax(logits, axis=-1)         # [T] top-1 expert per token
    # compute every expert on every token, then select via one-hot (math equals
    # torch's boolean-mask routing since each token is written by exactly one expert)
    g = jnp.einsum('th,edh->etd', xf, Wg)      # [E, T, D]
    u = jnp.einsum('th,edh->etd', xf, Wu)      # [E, T, D]
    hmid = jnp.square(jnp.maximum(g, 0.0)) * u # ReLU^2 gating
    out_e = jnp.einsum('etd,ehd->eth', hmid, Wd)  # [E, T, H]
    onehot = jax.nn.one_hot(eidx, E, dtype=xf.dtype)  # [T, E]
    out = jnp.einsum('eth,te->th', out_e, onehot)      # [T, H]
    return out.reshape(b, s, h)

if __name__ == "__main__":
    import jax
    _d = setup_inputs()
    print(jax.jit(kernel)(*tuple(_d.values())))

</pallas_src>

<mosaic_0001>
#map = affine_map<(d0, d1) -> (0, 0)>
module attributes {stable_mosaic.version = 14 : i64} {
  func.func @_combine(%arg0: i32, %arg1: i32, %arg2: memref<4992x1024xf32, #tpu.memory_space<hbm>>, %arg3: memref<32x64xi32, #tpu.memory_space<hbm>>, %arg4: memref<2048x1024xf32, #tpu.memory_space<hbm>>, %arg5: memref<64xi32, #tpu.memory_space<vmem>>, %arg6: memref<64x1024xf32, #tpu.memory_space<vmem>>, %arg7: memref<!tpu.dma_semaphore, #tpu.memory_space<semaphore_mem>>) attributes {dimension_semantics = [#tpu.dimension_semantics<core_parallel>, #tpu.dimension_semantics<subcore_parallel>], iteration_bounds = array<i64: 2, 16>, scalar_prefetch = 0 : i64, scratch_operands = 3 : i64, tpu.core_type = #tpu.core_type<sc_vector_subcore>, window_params = [{transform_indices = #map}, {transform_indices = #map}, {transform_indices = #map}]} {
    %mul3A = arith.constant 2 : i32
    %mul3A_0 = arith.muli %arg1, %mul3A : i32
    %add3A = arith.addi %mul3A_0, %arg0 : i32
    "tpu.region"() ({
      %run_scoped3A = tpu.sem_alloc : memref<!tpu.dma_semaphore, #tpu.memory_space<semaphore_mem>>
      %dma_start3A_7 = arith.constant 0 : i32
      %dma_start3A_8 = tpu.memref_slice %arg3[%add3A, %dma_start3A_7] : memref<32x64xi32, #tpu.memory_space<hbm>> -> memref<1x64xi32, #tpu.memory_space<hbm>>
      %dma_start3A_9 = tpu.memref_squeeze %dma_start3A_8 : memref<1x64xi32, #tpu.memory_space<hbm>> -> memref<64xi32, #tpu.memory_space<hbm>>
      %dma_start3A_10 = arith.constant 0 : i32
      %dma_start3A_11 = tpu.memref_slice %arg3[%add3A, %dma_start3A_10] : memref<32x64xi32, #tpu.memory_space<hbm>> -> memref<1x64xi32, #tpu.memory_space<hbm>>
      %dma_start3A_12 = tpu.memref_squeeze %dma_start3A_11 : memref<1x64xi32, #tpu.memory_space<hbm>> -> memref<64xi32, #tpu.memory_space<hbm>>
      tpu.enqueue_dma source(%dma_start3A_12 : memref<64xi32, #tpu.memory_space<hbm>>) target(%arg5 : memref<64xi32, #tpu.memory_space<vmem>>) target_semaphore(%run_scoped3A : memref<!tpu.dma_semaphore, #tpu.memory_space<semaphore_mem>>)
      %dma_wait3A_13 = arith.constant 0 : i32
      %dma_wait3A_14 = tpu.memref_slice %arg3[%add3A, %dma_wait3A_13] : memref<32x64xi32, #tpu.memory_space<hbm>> -> memref<1x64xi32, #tpu.memory_space<hbm>>
      %dma_wait3A_15 = tpu.memref_squeeze %dma_wait3A_14 : memref<1x64xi32, #tpu.memory_space<hbm>> -> memref<64xi32, #tpu.memory_space<hbm>>
      %dma_wait3A_16 = arith.constant 0 : i32
      %dma_wait3A_17 = tpu.memref_slice %arg3[%add3A, %dma_wait3A_16] : memref<32x64xi32, #tpu.memory_space<hbm>> -> memref<1x64xi32, #tpu.memory_space<hbm>>
      %dma_wait3A_18 = tpu.memref_squeeze %dma_wait3A_17 : memref<1x64xi32, #tpu.memory_space<hbm>> -> memref<64xi32, #tpu.memory_space<hbm>>
      tpu.wait_dma2 semaphore(%run_scoped3A : memref<!tpu.dma_semaphore, #tpu.memory_space<semaphore_mem>>) src(%dma_wait3A_18 : memref<64xi32, #tpu.memory_space<hbm>>) dst(%arg5 : memref<64xi32, #tpu.memory_space<vmem>>)
      tpu.yield
    }) : () -> ()
    %dma_start3A = arith.constant 0 : i32
    %dma_start3A_1 = arith.constant 0 : i32
    %dma_start3A_2 = tpu.memref_slice %arg2[%dma_start3A, %dma_start3A_1] : memref<4992x1024xf32, #tpu.memory_space<hbm>> -> memref<4992x1024xf32, #tpu.memory_space<hbm>>
    tpu.enqueue_indirect_dma source(%dma_start3A_2 : memref<4992x1024xf32, #tpu.memory_space<hbm>>) target(%arg6 : memref<64x1024xf32, #tpu.memory_space<vmem>>) offsets(%arg5 : memref<64xi32, #tpu.memory_space<vmem>>) semaphore(%arg7 : memref<!tpu.dma_semaphore, #tpu.memory_space<semaphore_mem>>)
    %dma_wait3A = arith.constant 0 : i32
    %dma_wait3A_3 = arith.constant 0 : i32
    %dma_wait3A_4 = tpu.memref_slice %arg2[%dma_wait3A, %dma_wait3A_3] : memref<4992x1024xf32, #tpu.memory_space<hbm>> -> memref<4992x1024xf32, #tpu.memory_space<hbm>>
    tpu.wait_indirect_dma semaphore(%arg7 : memref<!tpu.dma_semaphore, #tpu.memory_space<semaphore_mem>>) src(%dma_wait3A_4 : memref<4992x1024xf32, #tpu.memory_space<hbm>>) dst(%arg6 : memref<64x1024xf32, #tpu.memory_space<vmem>>)
    %mul3A_5 = arith.constant 64 : i32
    %mul3A_6 = arith.muli %add3A, %mul3A_5 : i32
    "tpu.region"() ({
      %run_scoped3A = tpu.sem_alloc : memref<!tpu.dma_semaphore, #tpu.memory_space<semaphore_mem>>
      %dma_start3A_7 = arith.constant 0 : i32
      %dma_start3A_8 = tpu.memref_slice %arg4[%mul3A_6, %dma_start3A_7] : memref<2048x1024xf32, #tpu.memory_space<hbm>> -> memref<64x1024xf32, #tpu.memory_space<hbm>>
      %dma_start3A_9 = arith.constant 0 : i32
      %dma_start3A_10 = tpu.memref_slice %arg4[%mul3A_6, %dma_start3A_9] : memref<2048x1024xf32, #tpu.memory_space<hbm>> -> memref<64x1024xf32, #tpu.memory_space<hbm>>
      tpu.enqueue_dma source(%arg6 : memref<64x1024xf32, #tpu.memory_space<vmem>>) target(%dma_start3A_10 : memref<64x1024xf32, #tpu.memory_space<hbm>>) target_semaphore(%run_scoped3A : memref<!tpu.dma_semaphore, #tpu.memory_space<semaphore_mem>>)
      %dma_wait3A_11 = arith.constant 0 : i32
      %dma_wait3A_12 = tpu.memref_slice %arg4[%mul3A_6, %dma_wait3A_11] : memref<2048x1024xf32, #tpu.memory_space<hbm>> -> memref<64x1024xf32, #tpu.memory_space<hbm>>
      %dma_wait3A_13 = arith.constant 0 : i32
      %dma_wait3A_14 = tpu.memref_slice %arg4[%mul3A_6, %dma_wait3A_13] : memref<2048x1024xf32, #tpu.memory_space<hbm>> -> memref<64x1024xf32, #tpu.memory_space<hbm>>
      tpu.wait_dma2 semaphore(%run_scoped3A : memref<!tpu.dma_semaphore, #tpu.memory_space<semaphore_mem>>) src(%arg6 : memref<64x1024xf32, #tpu.memory_space<vmem>>) dst(%dma_wait3A_14 : memref<64x1024xf32, #tpu.memory_space<hbm>>)
      tpu.yield
    }) : () -> ()
    return
  }
}

#map = affine_map<(d0, d1) -> (0, 0)>
module attributes {stable_mosaic.version = 14 : i64} {
  func.func @_dispatch(%arg0: i32, %arg1: i32, %arg2: memref<2048x1024xf32, #tpu.memory_space<hbm>>, %arg3: memref<32x64xi32, #tpu.memory_space<hbm>>, %arg4: memref<4992x1024xf32, #tpu.memory_space<hbm>>, %arg5: memref<64xi32, #tpu.memory_space<vmem>>, %arg6: memref<64x1024xf32, #tpu.memory_space<vmem>>, %arg7: memref<!tpu.dma_semaphore, #tpu.memory_space<semaphore_mem>>) attributes {dimension_semantics = [#tpu.dimension_semantics<core_parallel>, #tpu.dimension_semantics<subcore_parallel>], iteration_bounds = array<i64: 2, 16>, scalar_prefetch = 0 : i64, scratch_operands = 3 : i64, tpu.core_type = #tpu.core_type<sc_vector_subcore>, window_params = [{transform_indices = #map}, {transform_indices = #map}, {transform_indices = #map}]} {
    %mul3A = arith.constant 2 : i32
    %mul3A_0 = arith.muli %arg1, %mul3A : i32
    %add3A = arith.addi %mul3A_0, %arg0 : i32
    "tpu.region"() ({
      %run_scoped3A = tpu.sem_alloc : memref<!tpu.dma_semaphore, #tpu.memory_space<semaphore_mem>>
      %dma_start3A_7 = arith.constant 0 : i32
      %dma_start3A_8 = tpu.memref_slice %arg3[%add3A, %dma_start3A_7] : memref<32x64xi32, #tpu.memory_space<hbm>> -> memref<1x64xi32, #tpu.memory_space<hbm>>
      %dma_start3A_9 = tpu.memref_squeeze %dma_start3A_8 : memref<1x64xi32, #tpu.memory_space<hbm>> -> memref<64xi32, #tpu.memory_space<hbm>>
      %dma_start3A_10 = arith.constant 0 : i32
      %dma_start3A_11 = tpu.memref_slice %arg3[%add3A, %dma_start3A_10] : memref<32x64xi32, #tpu.memory_space<hbm>> -> memref<1x64xi32, #tpu.memory_space<hbm>>
      %dma_start3A_12 = tpu.memref_squeeze %dma_start3A_11 : memref<1x64xi32, #tpu.memory_space<hbm>> -> memref<64xi32, #tpu.memory_space<hbm>>
      tpu.enqueue_dma source(%dma_start3A_12 : memref<64xi32, #tpu.memory_space<hbm>>) target(%arg5 : memref<64xi32, #tpu.memory_space<vmem>>) target_semaphore(%run_scoped3A : memref<!tpu.dma_semaphore, #tpu.memory_space<semaphore_mem>>)
      %dma_wait3A_13 = arith.constant 0 : i32
      %dma_wait3A_14 = tpu.memref_slice %arg3[%add3A, %dma_wait3A_13] : memref<32x64xi32, #tpu.memory_space<hbm>> -> memref<1x64xi32, #tpu.memory_space<hbm>>
      %dma_wait3A_15 = tpu.memref_squeeze %dma_wait3A_14 : memref<1x64xi32, #tpu.memory_space<hbm>> -> memref<64xi32, #tpu.memory_space<hbm>>
      %dma_wait3A_16 = arith.constant 0 : i32
      %dma_wait3A_17 = tpu.memref_slice %arg3[%add3A, %dma_wait3A_16] : memref<32x64xi32, #tpu.memory_space<hbm>> -> memref<1x64xi32, #tpu.memory_space<hbm>>
      %dma_wait3A_18 = tpu.memref_squeeze %dma_wait3A_17 : memref<1x64xi32, #tpu.memory_space<hbm>> -> memref<64xi32, #tpu.memory_space<hbm>>
      tpu.wait_dma2 semaphore(%run_scoped3A : memref<!tpu.dma_semaphore, #tpu.memory_space<semaphore_mem>>) src(%dma_wait3A_18 : memref<64xi32, #tpu.memory_space<hbm>>) dst(%arg5 : memref<64xi32, #tpu.memory_space<vmem>>)
      tpu.yield
    }) : () -> ()
    %mul3A_1 = arith.constant 64 : i32
    %mul3A_2 = arith.muli %add3A, %mul3A_1 : i32
    "tpu.region"() ({
      %run_scoped3A = tpu.sem_alloc : memref<!tpu.dma_semaphore, #tpu.memory_space<semaphore_mem>>
      %dma_start3A_7 = arith.constant 0 : i32
      %dma_start3A_8 = tpu.memref_slice %arg2[%mul3A_2, %dma_start3A_7] : memref<2048x1024xf32, #tpu.memory_space<hbm>> -> memref<64x1024xf32, #tpu.memory_space<hbm>>
      %dma_start3A_9 = arith.constant 0 : i32
      %dma_start3A_10 = tpu.memref_slice %arg2[%mul3A_2, %dma_start3A_9] : memref<2048x1024xf32, #tpu.memory_space<hbm>> -> memref<64x1024xf32, #tpu.memory_space<hbm>>
      tpu.enqueue_dma source(%dma_start3A_10 : memref<64x1024xf32, #tpu.memory_space<hbm>>) target(%arg6 : memref<64x1024xf32, #tpu.memory_space<vmem>>) target_semaphore(%run_scoped3A : memref<!tpu.dma_semaphore, #tpu.memory_space<semaphore_mem>>)
      %dma_wait3A_11 = arith.constant 0 : i32
      %dma_wait3A_12 = tpu.memref_slice %arg2[%mul3A_2, %dma_wait3A_11] : memref<2048x1024xf32, #tpu.memory_space<hbm>> -> memref<64x1024xf32, #tpu.memory_space<hbm>>
      %dma_wait3A_13 = arith.constant 0 : i32
      %dma_wait3A_14 = tpu.memref_slice %arg2[%mul3A_2, %dma_wait3A_13] : memref<2048x1024xf32, #tpu.memory_space<hbm>> -> memref<64x1024xf32, #tpu.memory_space<hbm>>
      tpu.wait_dma2 semaphore(%run_scoped3A : memref<!tpu.dma_semaphore, #tpu.memory_space<semaphore_mem>>) src(%dma_wait3A_14 : memref<64x1024xf32, #tpu.memory_space<hbm>>) dst(%arg6 : memref<64x1024xf32, #tpu.memory_space<vmem>>)
      tpu.yield
    }) : () -> ()
    %dma_start3A = arith.constant 0 : i32
    %dma_start3A_3 = arith.constant 0 : i32
    %dma_start3A_4 = tpu.memref_slice %arg4[%dma_start3A, %dma_start3A_3] : memref<4992x1024xf32, #tpu.memory_space<hbm>> -> memref<4992x1024xf32, #tpu.memory_space<hbm>>
    tpu.enqueue_indirect_dma source(%arg6 : memref<64x1024xf32, #tpu.memory_space<vmem>>) target(%dma_start3A_4 : memref<4992x1024xf32, #tpu.memory_space<hbm>>) offsets(%arg5 : memref<64xi32, #tpu.memory_space<vmem>>) semaphore(%arg7 : memref<!tpu.dma_semaphore, #tpu.memory_space<semaphore_mem>>)
    %dma_wait3A = arith.constant 0 : i32
    %dma_wait3A_5 = arith.constant 0 : i32
    %dma_wait3A_6 = tpu.memref_slice %arg4[%dma_wait3A, %dma_wait3A_5] : memref<4992x1024xf32, #tpu.memory_space<hbm>> -> memref<4992x1024xf32, #tpu.memory_space<hbm>>
    tpu.wait_indirect_dma semaphore(%arg7 : memref<!tpu.dma_semaphore, #tpu.memory_space<semaphore_mem>>) src(%arg6 : memref<64x1024xf32, #tpu.memory_space<vmem>>) dst(%dma_wait3A_6 : memref<4992x1024xf32, #tpu.memory_space<hbm>>)
    return
  }
}

module attributes {stable_mosaic.version = 14 : i64} {
  func.func @_moe_body(%arg0: i32, %arg1: memref<40x1xi32, #tpu.memory_space<smem>>, %arg2: memref<384x1024xf32, #tpu.memory_space<vmem>>, %arg3: memref<1x512x1024xf32, #tpu.memory_space<vmem>>, %arg4: memref<1x512x1024xf32, #tpu.memory_space<vmem>>, %arg5: memref<1x1024x512xf32, #tpu.memory_space<vmem>>, %arg6: memref<384x1024xf32, #tpu.memory_space<vmem>>) attributes {dimension_semantics = [#tpu.dimension_semantics<arbitrary>], iteration_bounds = array<i64: 13>, scalar_prefetch = 1 : i64, scratch_operands = 0 : i64, tpu.core_type = #tpu.core_type<tc>, window_params = [{transform_indices = @transform_0, window_bounds = array<i64: 384, 1024>}, {transform_indices = @transform_1, window_bounds = array<i64: 1, 512, 1024>}, {transform_indices = @transform_2, window_bounds = array<i64: 1, 512, 1024>}, {transform_indices = @transform_3, window_bounds = array<i64: 1, 1024, 512>}, {transform_indices = @transform_4, window_bounds = array<i64: 384, 1024>}]} {
    %get3A = arith.constant 0 : index
    %get3A_0 = arith.constant 0 : index
    %get3A_1 = memref.load %arg1[%get3A, %get3A_0] : memref<40x1xi32, #tpu.memory_space<smem>>
    %lt3A = arith.cmpi slt, %arg0, %get3A_1 : i32
    %convert_element_type3A = arith.extui %lt3A : i1 to i32
    %cond3A = arith.constant 0 : i32
    %cond3A_2 = arith.cmpi ne, %convert_element_type3A, %cond3A : i32
    scf.if %cond3A_2 {
      %get3A_3 = arith.constant 0 : index
      %get3A_4 = arith.constant 0 : index
      %get3A_5 = vector.load %arg2[%get3A_3, %get3A_4] : memref<384x1024xf32, #tpu.memory_space<vmem>>, vector<384x1024xf32>
      %get3A_6 = arith.constant 0 : index
      %get3A_7 = arith.constant 0 : index
      %get3A_8 = arith.constant 0 : index
      %get3A_9 = vector.load %arg3[%get3A_6, %get3A_7, %get3A_8] : memref<1x512x1024xf32, #tpu.memory_space<vmem>>, vector<1x512x1024xf32>
      %get3A_10 = vector.shape_cast %get3A_9 : vector<1x512x1024xf32> to vector<512x1024xf32>
      %dot_general3A = arith.constant dense<0.000000e+00> : vector<384x512xf32>
      %dot_general3A_11 = tpu.matmul %get3A_5, %get3A_10, %dot_general3A {dimension_numbers = #tpu.dot_dimension_numbers<[1], [1], [0], [0], [0, 0, 1, 0], [], []>, transpose_lhs_hint = false} : vector<384x1024xf32>, vector<512x1024xf32>, vector<384x512xf32> -> vector<384x512xf32>
      %get3A_12 = arith.constant 0 : index
      %get3A_13 = arith.constant 0 : index
      %get3A_14 = arith.constant 0 : index
      %get3A_15 = vector.load %arg4[%get3A_12, %get3A_13, %get3A_14] : memref<1x512x1024xf32, #tpu.memory_space<vmem>>, vector<1x512x1024xf32>
      %get3A_16 = vector.shape_cast %get3A_15 : vector<1x512x1024xf32> to vector<512x1024xf32>
      %dot_general3A_17 = arith.constant dense<0.000000e+00> : vector<384x512xf32>
      %dot_general3A_18 = tpu.matmul %get3A_5, %get3A_16, %dot_general3A_17 {dimension_numbers = #tpu.dot_dimension_numbers<[1], [1], [0], [0], [0, 0, 1, 0], [], []>, transpose_lhs_hint = false} : vector<384x1024xf32>, vector<512x1024xf32>, vector<384x512xf32> -> vector<384x512xf32>
      %max3A = arith.constant 0.000000e+00 : f32
      %max3A_19 = vector.broadcast %max3A : f32 to vector<384x512xf32>
      %max3A_20 = arith.maximumf %dot_general3A_11, %max3A_19 : vector<384x512xf32>
      %square3A = arith.mulf %max3A_20, %max3A_20 : vector<384x512xf32>
      %mul3A = arith.mulf %square3A, %dot_general3A_18 : vector<384x512xf32>
      %get3A_21 = arith.constant 0 : index
      %get3A_22 = arith.constant 0 : index
      %get3A_23 = arith.constant 0 : index
      %get3A_24 = vector.load %arg5[%get3A_21, %get3A_22, %get3A_23] : memref<1x1024x512xf32, #tpu.memory_space<vmem>>, vector<1x1024x512xf32>
      %get3A_25 = vector.shape_cast %get3A_24 : vector<1x1024x512xf32> to vector<1024x512xf32>
      %dot_general3A_26 = arith.constant dense<0.000000e+00> : vector<384x1024xf32>
      %dot_general3A_27 = tpu.matmul %mul3A, %get3A_25, %dot_general3A_26 {dimension_numbers = #tpu.dot_dimension_numbers<[1], [1], [0], [0], [0, 0, 1, 0], [], []>, transpose_lhs_hint = false} : vector<384x512xf32>, vector<1024x512xf32>, vector<384x1024xf32> -> vector<384x1024xf32>
      %swap3A = arith.constant 0 : index
      %swap3A_28 = arith.constant 0 : index
      %swap3A_29 = vector.load %arg6[%swap3A, %swap3A_28] : memref<384x1024xf32, #tpu.memory_space<vmem>>, vector<384x1024xf32>
      tpu.vector_store %arg6[%swap3A, %swap3A_28], %dot_general3A_27 {strides = array<i32>} : memref<384x1024xf32, #tpu.memory_space<vmem>>, vector<384x1024xf32>,
    } else {
    }
    return
  }
  func.func @transform_0(%arg0: i32, %arg1: memref<40x1xi32, #tpu.memory_space<smem>>) -> (i32, i32) {
    %get3A = arith.constant 0 : index
    %get3A_0 = arith.constant 0 : index
    %get3A_1 = memref.load %arg1[%get3A, %get3A_0] : memref<40x1xi32, #tpu.memory_space<smem>>
    %sub3A = arith.constant 1 : i32
    %sub3A_2 = arith.subi %get3A_1, %sub3A : i32
    %min3A = arith.minsi %arg0, %sub3A_2 : i32
    %c0_i32 = arith.constant 0 : i32
    %c0_i32_3 = arith.constant 0 : i32
    return %min3A, %c0_i32 : i32, i32
  }
  func.func @transform_1(%arg0: i32, %arg1: memref<40x1xi32, #tpu.memory_space<smem>>) -> (i32, i32, i32) {
    %add3A = arith.constant 1 : i32
    %add3A_0 = arith.addi %arg0, %add3A : i32
    %get3A = arith.index_cast %add3A_0 : i32 to index
    %get3A_1 = arith.constant 0 : index
    %get3A_2 = memref.load %arg1[%get3A, %get3A_1] : memref<40x1xi32, #tpu.memory_space<smem>>
    %c0_i32 = arith.constant 0 : i32
    %c0_i32_3 = arith.constant 0 : i32
    %c0_i32_4 = arith.constant 0 : i32
    return %get3A_2, %c0_i32, %c0_i32_3 : i32, i32, i32
  }
  func.func @transform_2(%arg0: i32, %arg1: memref<40x1xi32, #tpu.memory_space<smem>>) -> (i32, i32, i32) {
    %add3A = arith.constant 1 : i32
    %add3A_0 = arith.addi %arg0, %add3A : i32
    %get3A = arith.index_cast %add3A_0 : i32 to index
    %get3A_1 = arith.constant 0 : index
    %get3A_2 = memref.load %arg1[%get3A, %get3A_1] : memref<40x1xi32, #tpu.memory_space<smem>>
    %c0_i32 = arith.constant 0 : i32
    %c0_i32_3 = arith.constant 0 : i32
    %c0_i32_4 = arith.constant 0 : i32
    return %get3A_2, %c0_i32, %c0_i32_3 : i32, i32, i32
  }
  func.func @transform_3(%arg0: i32, %arg1: memref<40x1xi32, #tpu.memory_space<smem>>) -> (i32, i32, i32) {
    %add3A = arith.constant 1 : i32
    %add3A_0 = arith.addi %arg0, %add3A : i32
    %get3A = arith.index_cast %add3A_0 : i32 to index
    %get3A_1 = arith.constant 0 : index
    %get3A_2 = memref.load %arg1[%get3A, %get3A_1] : memref<40x1xi32, #tpu.memory_space<smem>>
    %c0_i32 = arith.constant 0 : i32
    %c0_i32_3 = arith.constant 0 : i32
    %c0_i32_4 = arith.constant 0 : i32
    return %get3A_2, %c0_i32, %c0_i32_3 : i32, i32, i32
  }
  func.func @transform_4(%arg0: i32, %arg1: memref<40x1xi32, #tpu.memory_space<smem>>) -> (i32, i32) {
    %get3A = arith.constant 0 : index
    %get3A_0 = arith.constant 0 : index
    %get3A_1 = memref.load %arg1[%get3A, %get3A_0] : memref<40x1xi32, #tpu.memory_space<smem>>
    %sub3A = arith.constant 1 : i32
    %sub3A_2 = arith.subi %get3A_1, %sub3A : i32
    %min3A = arith.minsi %arg0, %sub3A_2 : i32
    %c0_i32 = arith.constant 0 : i32
    %c0_i32_3 = arith.constant 0 : i32
    return %min3A, %c0_i32 : i32, i32
  }
}

module attributes {stable_mosaic.version = 14 : i64} {
  func.func @_router_book_body(%arg0: memref<2048x1024xf32, #tpu.memory_space<vmem>>, %arg1: memref<8x1024xf32, #tpu.memory_space<vmem>>, %arg2: memref<2048x1xi32, #tpu.memory_space<vmem>>, %arg3: memref<40x1xi32, #tpu.memory_space<vmem>>) attributes {dimension_semantics = [], scalar_prefetch = 0 : i64, scratch_operands = 0 : i64, tpu.core_type = #tpu.core_type<tc>} {
    %get3A = arith.constant 0 : index
    %get3A_0 = arith.constant 0 : index
    %get3A_1 = vector.load %arg0[%get3A, %get3A_0] : memref<2048x1024xf32, #tpu.memory_space<vmem>>, vector<2048x1024xf32>
    %get3A_2 = arith.constant 0 : index
    %get3A_3 = arith.constant 0 : index
    %get3A_4 = vector.load %arg1[%get3A_2, %get3A_3] : memref<8x1024xf32, #tpu.memory_space<vmem>>, vector<8x1024xf32>
    %dot_general3A = arith.constant dense<0.000000e+00> : vector<2048x8xf32>
    %dot_general3A_5 = tpu.matmul %get3A_1, %get3A_4, %dot_general3A {dimension_numbers = #tpu.dot_dimension_numbers<[1], [1], [0], [0], [0, 0, 1, 0], [], []>, transpose_lhs_hint = false} : vector<2048x1024xf32>, vector<8x1024xf32>, vector<2048x8xf32> -> vector<2048x8xf32>
    %reduce_max3A = arith.constant dense<0xFF800000> : vector<2048xf32>
    %reduce_max3A_6 = vector.multi_reduction <maximumf>, %dot_general3A_5, %reduce_max3A [1] : vector<2048x8xf32> to vector<2048xf32>
    %broadcast_in_dim3A = vector.shape_cast %reduce_max3A_6 : vector<2048xf32> to vector<2048x1xf32>
    %iota3A = tpu.iota {dimensions = array<i32: 1>} : vector<2048x8xi32>
    %eq3A = vector.broadcast %broadcast_in_dim3A : vector<2048x1xf32> to vector<2048x8xf32>
    %eq3A_7 = arith.cmpf oeq, %dot_general3A_5, %eq3A : vector<2048x8xf32>
    %jit3A = arith.constant 8 : i32
    %broadcast_in_dim3A_8 = vector.broadcast %jit3A : i32 to vector<2048x8xi32>
    %select_n3A = arith.select %eq3A_7, %iota3A, %broadcast_in_dim3A_8 : vector<2048x8xi1>, vector<2048x8xi32>
    %reduce_min3A = arith.constant dense<2147483647> : vector<2048xi32>
    %reduce_min3A_9 = vector.multi_reduction <minsi>, %select_n3A, %reduce_min3A [1] : vector<2048x8xi32> to vector<2048xi32>
    %broadcast_in_dim3A_10 = vector.shape_cast %reduce_min3A_9 : vector<2048xi32> to vector<2048x1xi32>
    %eq3A_11 = vector.broadcast %broadcast_in_dim3A_10 : vector<2048x1xi32> to vector<2048x8xi32>
    %eq3A_12 = arith.cmpi eq, %iota3A, %eq3A_11 : vector<2048x8xi32>
    %convert_element_type3A = arith.extui %eq3A_12 : vector<2048x8xi1> to vector<2048x8xi32>
    %broadcast_in_dim3A_13 = arith.constant 0 : i32
    %broadcast_in_dim3A_14 = vector.broadcast %broadcast_in_dim3A_13 : i32 to vector<1x8xi32>
    %slice3A = vector.extract_strided_slice %convert_element_type3A {offsets = [0, 0], sizes = [2047, 8], strides = [1, 1]} : vector<2048x8xi32> to vector<2047x8xi32>
    %concatenate3A = tpu.concatenate %broadcast_in_dim3A_14, %slice3A in 0 : vector<1x8xi32>, vector<2047x8xi32> -> vector<2048x8xi32>
    %add3A = arith.addi %convert_element_type3A, %concatenate3A : vector<2048x8xi32>
    %broadcast_in_dim3A_15 = arith.constant 0 : i32
    %broadcast_in_dim3A_16 = vector.broadcast %broadcast_in_dim3A_15 : i32 to vector<2x8xi32>
    %slice3A_17 = vector.extract_strided_slice %add3A {offsets = [0, 0], sizes = [2046, 8], strides = [1, 1]} : vector<2048x8xi32> to vector<2046x8xi32>
    %concatenate3A_18 = tpu.concatenate %broadcast_in_dim3A_16, %slice3A_17 in 0 : vector<2x8xi32>, vector<2046x8xi32> -> vector<2048x8xi32>
    %add3A_19 = arith.addi %add3A, %concatenate3A_18 : vector<2048x8xi32>
    %broadcast_in_dim3A_20 = arith.constant 0 : i32
    %broadcast_in_dim3A_21 = vector.broadcast %broadcast_in_dim3A_20 : i32 to vector<4x8xi32>
    %slice3A_22 = vector.extract_strided_slice %add3A_19 {offsets = [0, 0], sizes = [2044, 8], strides = [1, 1]} : vector<2048x8xi32> to vector<2044x8xi32>
    %concatenate3A_23 = tpu.concatenate %broadcast_in_dim3A_21, %slice3A_22 in 0 : vector<4x8xi32>, vector<2044x8xi32> -> vector<2048x8xi32>
    %add3A_24 = arith.addi %add3A_19, %concatenate3A_23 : vector<2048x8xi32>
    %broadcast_in_dim3A_25 = arith.constant 0 : i32
    %broadcast_in_dim3A_26 = vector.broadcast %broadcast_in_dim3A_25 : i32 to vector<8x8xi32>
    %slice3A_27 = vector.extract_strided_slice %add3A_24 {offsets = [0, 0], sizes = [2040, 8], strides = [1, 1]} : vector<2048x8xi32> to vector<2040x8xi32>
    %concatenate3A_28 = tpu.concatenate %broadcast_in_dim3A_26, %slice3A_27 in 0 : vector<8x8xi32>, vector<2040x8xi32> -> vector<2048x8xi32>
    %add3A_29 = arith.addi %add3A_24, %concatenate3A_28 : vector<2048x8xi32>
    %broadcast_in_dim3A_30 = arith.constant 0 : i32
    %broadcast_in_dim3A_31 = vector.broadcast %broadcast_in_dim3A_30 : i32 to vector<16x8xi32>
    %slice3A_32 = vector.extract_strided_slice %add3A_29 {offsets = [0, 0], sizes = [2032, 8], strides = [1, 1]} : vector<2048x8xi32> to vector<2032x8xi32>
    %concatenate3A_33 = tpu.concatenate %broadcast_in_dim3A_31, %slice3A_32 in 0 : vector<16x8xi32>, vector<2032x8xi32> -> vector<2048x8xi32>
    %add3A_34 = arith.addi %add3A_29, %concatenate3A_33 : vector<2048x8xi32>
    %broadcast_in_dim3A_35 = arith.constant 0 : i32
    %broadcast_in_dim3A_36 = vector.broadcast %broadcast_in_dim3A_35 : i32 to vector<32x8xi32>
    %slice3A_37 = vector.extract_strided_slice %add3A_34 {offsets = [0, 0], sizes = [2016, 8], strides = [1, 1]} : vector<2048x8xi32> to vector<2016x8xi32>
    %concatenate3A_38 = tpu.concatenate %broadcast_in_dim3A_36, %slice3A_37 in 0 : vector<32x8xi32>, vector<2016x8xi32> -> vector<2048x8xi32>
    %add3A_39 = arith.addi %add3A_34, %concatenate3A_38 : vector<2048x8xi32>
    %broadcast_in_dim3A_40 = arith.constant 0 : i32
    %broadcast_in_dim3A_41 = vector.broadcast %broadcast_in_dim3A_40 : i32 to vector<64x8xi32>
    %slice3A_42 = vector.extract_strided_slice %add3A_39 {offsets = [0, 0], sizes = [1984, 8], strides = [1, 1]} : vector<2048x8xi32> to vector<1984x8xi32>
    %concatenate3A_43 = tpu.concatenate %broadcast_in_dim3A_41, %slice3A_42 in 0 : vector<64x8xi32>, vector<1984x8xi32> -> vector<2048x8xi32>
    %add3A_44 = arith.addi %add3A_39, %concatenate3A_43 : vector<2048x8xi32>
    %broadcast_in_dim3A_45 = arith.constant 0 : i32
    %broadcast_in_dim3A_46 = vector.broadcast %broadcast_in_dim3A_45 : i32 to vector<128x8xi32>
    %slice3A_47 = vector.extract_strided_slice %add3A_44 {offsets = [0, 0], sizes = [1920, 8], strides = [1, 1]} : vector<2048x8xi32> to vector<1920x8xi32>
    %concatenate3A_48 = tpu.concatenate %broadcast_in_dim3A_46, %slice3A_47 in 0 : vector<128x8xi32>, vector<1920x8xi32> -> vector<2048x8xi32>
    %add3A_49 = arith.addi %add3A_44, %concatenate3A_48 : vector<2048x8xi32>
    %broadcast_in_dim3A_50 = arith.constant 0 : i32
    %broadcast_in_dim3A_51 = vector.broadcast %broadcast_in_dim3A_50 : i32 to vector<256x8xi32>
    %slice3A_52 = vector.extract_strided_slice %add3A_49 {offsets = [0, 0], sizes = [1792, 8], strides = [1, 1]} : vector<2048x8xi32> to vector<1792x8xi32>
    %concatenate3A_53 = tpu.concatenate %broadcast_in_dim3A_51, %slice3A_52 in 0 : vector<256x8xi32>, vector<1792x8xi32> -> vector<2048x8xi32>
    %add3A_54 = arith.addi %add3A_49, %concatenate3A_53 : vector<2048x8xi32>
    %broadcast_in_dim3A_55 = arith.constant 0 : i32
    %broadcast_in_dim3A_56 = vector.broadcast %broadcast_in_dim3A_55 : i32 to vector<512x8xi32>
    %slice3A_57 = vector.extract_strided_slice %add3A_54 {offsets = [0, 0], sizes = [1536, 8], strides = [1, 1]} : vector<2048x8xi32> to vector<1536x8xi32>
    %concatenate3A_58 = tpu.concatenate %broadcast_in_dim3A_56, %slice3A_57 in 0 : vector<512x8xi32>, vector<1536x8xi32> -> vector<2048x8xi32>
    %add3A_59 = arith.addi %add3A_54, %concatenate3A_58 : vector<2048x8xi32>
    %broadcast_in_dim3A_60 = arith.constant 0 : i32
    %broadcast_in_dim3A_61 = vector.broadcast %broadcast_in_dim3A_60 : i32 to vector<1024x8xi32>
    %slice3A_62 = vector.extract_strided_slice %add3A_59 {offsets = [0, 0], sizes = [1024, 8], strides = [1, 1]} : vector<2048x8xi32> to vector<1024x8xi32>
    %concatenate3A_63 = tpu.concatenate %broadcast_in_dim3A_61, %slice3A_62 in 0 : vector<1024x8xi32>, vector<1024x8xi32> -> vector<2048x8xi32>
    %add3A_64 = arith.addi %add3A_59, %concatenate3A_63 : vector<2048x8xi32>
    %slice3A_65 = vector.extract_strided_slice %add3A_64 {offsets = [2047, 0], sizes = [1, 8], strides = [1, 1]} : vector<2048x8xi32> to vector<1x8xi32>
    %add3A_66 = arith.constant 383 : i32
    %add3A_67 = vector.broadcast %add3A_66 : i32 to vector<1x8xi32>
    %add3A_68 = arith.addi %slice3A_65, %add3A_67 : vector<1x8xi32>
    %jit3A_69 = arith.constant 384 : i32
    %div3A = vector.broadcast %jit3A_69 : i32 to vector<1x8xi32>
    %div3A_70 = arith.divsi %add3A_68, %div3A : vector<1x8xi32>
    %sign3A = arith.constant 0 : i32
    %sign3A_71 = vector.broadcast %sign3A : i32 to vector<1x8xi32>
    %sign3A_72 = arith.cmpi sgt, %add3A_68, %sign3A_71 : vector<1x8xi32>
    %sign3A_73 = arith.extui %sign3A_72 : vector<1x8xi1> to vector<1x8xi32>
    %sign3A_74 = arith.constant 0 : i32
    %sign3A_75 = vector.broadcast %sign3A_74 : i32 to vector<1x8xi32>
    %sign3A_76 = arith.cmpi slt, %add3A_68, %sign3A_75 : vector<1x8xi32>
    %sign3A_77 = arith.extui %sign3A_76 : vector<1x8xi1> to vector<1x8xi32>
    %sign3A_78 = arith.subi %sign3A_73, %sign3A_77 : vector<1x8xi32>
    %sign3A_79 = arith.constant 0 : i32
    %sign3A_80 = arith.cmpi sgt, %jit3A_69, %sign3A_79 : i32
    %sign3A_81 = arith.extui %sign3A_80 : i1 to i32
    %sign3A_82 = arith.constant 0 : i32
    %sign3A_83 = arith.cmpi slt, %jit3A_69, %sign3A_82 : i32
    %sign3A_84 = arith.extui %sign3A_83 : i1 to i32
    %sign3A_85 = arith.subi %sign3A_81, %sign3A_84 : i32
    %ne3A = vector.broadcast %sign3A_85 : i32 to vector<1x8xi32>
    %ne3A_86 = arith.cmpi ne, %sign3A_78, %ne3A : vector<1x8xi32>
    %rem3A = vector.broadcast %jit3A_69 : i32 to vector<1x8xi32>
    %rem3A_87 = arith.remsi %add3A_68, %rem3A : vector<1x8xi32>
    %ne3A_88 = arith.constant 0 : i32
    %ne3A_89 = vector.broadcast %ne3A_88 : i32 to vector<1x8xi32>
    %ne3A_90 = arith.cmpi ne, %rem3A_87, %ne3A_89 : vector<1x8xi32>
    %and3A = arith.andi %ne3A_86, %ne3A_90 : vector<1x8xi1>
    %sub3A = arith.constant 1 : i32
    %sub3A_91 = vector.broadcast %sub3A : i32 to vector<1x8xi32>
    %sub3A_92 = arith.subi %div3A_70, %sub3A_91 : vector<1x8xi32>
    %select_n3A_93 = arith.select %and3A, %sub3A_92, %div3A_70 : vector<1x8xi1>, vector<1x8xi32>
    %broadcast_in_dim3A_94 = arith.constant 0 : i32
    %broadcast_in_dim3A_95 = vector.broadcast %broadcast_in_dim3A_94 : i32 to vector<1x1xi32>
    %slice3A_96 = vector.extract_strided_slice %select_n3A_93 {offsets = [0, 0], sizes = [1, 7], strides = [1, 1]} : vector<1x8xi32> to vector<1x7xi32>
    %concatenate3A_97 = tpu.concatenate %broadcast_in_dim3A_95, %slice3A_96 in 1 : vector<1x1xi32>, vector<1x7xi32> -> vector<1x8xi32>
    %add3A_98 = arith.addi %select_n3A_93, %concatenate3A_97 : vector<1x8xi32>
    %broadcast_in_dim3A_99 = arith.constant 0 : i32
    %broadcast_in_dim3A_100 = vector.broadcast %broadcast_in_dim3A_99 : i32 to vector<1x2xi32>
    %slice3A_101 = vector.extract_strided_slice %add3A_98 {offsets = [0, 0], sizes = [1, 6], strides = [1, 1]} : vector<1x8xi32> to vector<1x6xi32>
    %concatenate3A_102 = tpu.concatenate %broadcast_in_dim3A_100, %slice3A_101 in 1 : vector<1x2xi32>, vector<1x6xi32> -> vector<1x8xi32>
    %add3A_103 = arith.addi %add3A_98, %concatenate3A_102 : vector<1x8xi32>
    %broadcast_in_dim3A_104 = arith.constant 0 : i32
    %broadcast_in_dim3A_105 = vector.broadcast %broadcast_in_dim3A_104 : i32 to vector<1x4xi32>
    %slice3A_106 = vector.extract_strided_slice %add3A_103 {offsets = [0, 0], sizes = [1, 4], strides = [1, 1]} : vector<1x8xi32> to vector<1x4xi32>
    %concatenate3A_107 = tpu.concatenate %broadcast_in_dim3A_105, %slice3A_106 in 1 : vector<1x4xi32>, vector<1x4xi32> -> vector<1x8xi32>
    %add3A_108 = arith.addi %add3A_103, %concatenate3A_107 : vector<1x8xi32>
    %sub3A_109 = arith.subi %add3A_108, %select_n3A_93 : vector<1x8xi32>
    %slice3A_110 = vector.extract_strided_slice %add3A_108 {offsets = [0, 7], sizes = [1, 1], strides = [1, 1]} : vector<1x8xi32> to vector<1x1xi32>
    %sub3A_111 = arith.constant 1 : i32
    %sub3A_112 = vector.broadcast %sub3A_111 : i32 to vector<2048x8xi32>
    %sub3A_113 = arith.subi %add3A_64, %sub3A_112 : vector<2048x8xi32>
    %mul3A = arith.muli %sub3A_113, %convert_element_type3A : vector<2048x8xi32>
    %reduce_sum3A = arith.constant dense<0> : vector<2048xi32>
    %reduce_sum3A_114 = vector.multi_reduction <add>, %mul3A, %reduce_sum3A [1] : vector<2048x8xi32> to vector<2048xi32>
    %broadcast_in_dim3A_115 = vector.shape_cast %reduce_sum3A_114 : vector<2048xi32> to vector<2048x1xi32>
    %broadcast_in_dim3A_116 = vector.shape_cast %sub3A_109 : vector<1x8xi32> to vector<1x8xi32>
    %broadcast_in_dim3A_117 = vector.broadcast %broadcast_in_dim3A_116 : vector<1x8xi32> to vector<2048x8xi32>
    %mul3A_118 = arith.muli %convert_element_type3A, %broadcast_in_dim3A_117 : vector<2048x8xi32>
    %reduce_sum3A_119 = arith.constant dense<0> : vector<2048xi32>
    %reduce_sum3A_120 = vector.multi_reduction <add>, %mul3A_118, %reduce_sum3A_119 [1] : vector<2048x8xi32> to vector<2048xi32>
    %broadcast_in_dim3A_121 = vector.shape_cast %reduce_sum3A_120 : vector<2048xi32> to vector<2048x1xi32>
    %mul3A_122 = arith.constant 384 : i32
    %mul3A_123 = vector.broadcast %mul3A_122 : i32 to vector<2048x1xi32>
    %mul3A_124 = arith.muli %broadcast_in_dim3A_121, %mul3A_123 : vector<2048x1xi32>
    %add3A_125 = arith.addi %mul3A_124, %broadcast_in_dim3A_115 : vector<2048x1xi32>
    %swap3A = arith.constant 0 : index
    %swap3A_126 = arith.constant 0 : index
    %swap3A_127 = vector.load %arg2[%swap3A, %swap3A_126] : memref<2048x1xi32, #tpu.memory_space<vmem>>, vector<2048x1xi32>
    tpu.vector_store %arg2[%swap3A, %swap3A_126], %add3A_125 {strides = array<i32>} : memref<2048x1xi32, #tpu.memory_space<vmem>>, vector<2048x1xi32>,
    %iota3A_128 = tpu.iota {dimensions = array<i32: 0>} : vector<40x8xi32>
    %sub3A_129 = arith.constant 1 : i32
    %sub3A_130 = vector.broadcast %sub3A_129 : i32 to vector<40x8xi32>
    %sub3A_131 = arith.subi %iota3A_128, %sub3A_130 : vector<40x8xi32>
    %broadcast_in_dim3A_132 = vector.shape_cast %sub3A_109 : vector<1x8xi32> to vector<1x8xi32>
    %broadcast_in_dim3A_133 = vector.broadcast %broadcast_in_dim3A_132 : vector<1x8xi32> to vector<40x8xi32>
    %ge3A = arith.cmpi sge, %sub3A_131, %broadcast_in_dim3A_133 : vector<40x8xi32>
    %convert_element_type3A_134 = arith.extui %ge3A : vector<40x8xi1> to vector<40x8xi32>
    %reduce_sum3A_135 = arith.constant dense<0> : vector<40xi32>
    %reduce_sum3A_136 = vector.multi_reduction <add>, %convert_element_type3A_134, %reduce_sum3A_135 [1] : vector<40x8xi32> to vector<40xi32>
    %broadcast_in_dim3A_137 = vector.shape_cast %reduce_sum3A_136 : vector<40xi32> to vector<40x1xi32>
    %sub3A_138 = arith.constant 1 : i32
    %sub3A_139 = vector.broadcast %sub3A_138 : i32 to vector<40x1xi32>
    %sub3A_140 = arith.subi %broadcast_in_dim3A_137, %sub3A_139 : vector<40x1xi32>
    %jit3A_141 = arith.constant 0 : i32
    %jit3A_142 = arith.constant 7 : i32
    %max3A = vector.broadcast %jit3A_141 : i32 to vector<40x1xi32>
    %max3A_143 = arith.maxsi %max3A, %sub3A_140 : vector<40x1xi32>
    %min3A = vector.broadcast %jit3A_142 : i32 to vector<40x1xi32>
    %min3A_144 = arith.minsi %min3A, %max3A_143 : vector<40x1xi32>
    %iota3A_145 = tpu.iota {dimensions = array<i32: 0>} : vector<40x1xi32>
    %eq3A_146 = arith.constant 0 : i32
    %eq3A_147 = vector.broadcast %eq3A_146 : i32 to vector<40x1xi32>
    %eq3A_148 = arith.cmpi eq, %iota3A_145, %eq3A_147 : vector<40x1xi32>
    %broadcast_in_dim3A_149 = vector.shape_cast %slice3A_110 : vector<1x1xi32> to vector<1x1xi32>
    %broadcast_in_dim3A_150 = vector.broadcast %broadcast_in_dim3A_149 : vector<1x1xi32> to vector<40x1xi32>
    %select_n3A_151 = arith.select %eq3A_148, %broadcast_in_dim3A_150, %min3A_144 : vector<40x1xi1>, vector<40x1xi32>
    %swap3A_152 = arith.constant 0 : index
    %swap3A_153 = arith.constant 0 : index
    %swap3A_154 = vector.load %arg3[%swap3A_152, %swap3A_153] : memref<40x1xi32, #tpu.memory_space<vmem>>, vector<40x1xi32>
    tpu.vector_store %arg3[%swap3A_152, %swap3A_153], %select_n3A_151 {strides = array<i32>} : memref<40x1xi32, #tpu.memory_space<vmem>>, vector<40x1xi32>,
    return
  }
}

</mosaic_0001>

<sc_bundles>
// kernel: kernel.6.cloned.1.call-start
scs
__scs_entry_jumppad:
0x0: {  	(pc) =	sbr.rel $0x88, $3  }
0x1: {  	(tag) =	ssettag $0x0;
	lr =	simm.s32 $0x1  }
0x2: {  	[smem:$0x3F9C] =	sst lr;
	_ =	strace $0xD0000000  }
0x3: {  	_ = 	snop  }
0x4: {  	_ = 	snop  }
0x5: {  	_ = 	snop  }
0x6: {  	_ = 	snop  }
0x7: {  	_ = 	snop  }
__scs_overlays_trampoline_lowered:
0x8: {  	[smem:$0x3FAB] =	sst s0  }
0x9: {  	[smem:$0x3FAC] =	sst s1  }
0xa: {  	[smem:$0x3FAD] =	sst s2  }
0xb: {  	[smem:$0x3FAE] =	sst s3  }
0xc: {  	[smem:$0x3FAF] =	sst s4  }
0xd: {  	[smem:$0x3FB0] =	sst s5  }
0xe: {  	[smem:$0x3FB1] =	sst s6  }
0xf: {  	[smem:$0x3FB2] =	sst s7  }
0x10: {  	[smem:$0x3FB3] =	sst s8  }
0x11: {  	[smem:$0x3FB4] =	sst s9;
	s0 =	simm.s32 @!p0 $0x0  }
0x12: {  	s1 =	sld [smem:$0x3F9A];
	s0 =	simm.s32 @p0 $0x1  }
0x13: {  	[smem:$0x3FB5] =	sst s0;
	s0 =	simm.s32 @!p1 $0x0  }
0x14: {  	s2 =	sld [smem:$0x3F99];
	s0 =	simm.s32 @p1 $0x1  }
0x15: {  	[smem:$0x3FB6] =	sst s0;
	s0 =	simm.s32 @!p2 $0x0  }
0x16: {  	s3 =	sld [smem:$0x3FDB];
	s0 =	simm.s32 @p2 $0x1  }
0x17: {  	s4 =	simm.s32 $0x1BF5;
	[smem:$0x3FB8] =	sst s0  }
0x18: {  	s0 =	sld [smem:$0x3F9B];
	_ =	swait.ge [sflag:s4], $0x0  }
0x19: {  	s7 =	sld [smem:$0x3F9C]  }
0x1a: {  	s8 =	sadd.s32 $0xFFFFE003, lr  }
0x1b: {  	s9 =	sadd.s32 $0xFFFFFEF7, lr;
	s5 =	simm.s32 $0xFFFFFFFF;
	p2 =	slt.u32 s8, $0xFFFFF086  }
0x1c: {  	p1 =	slt.u32 s9, $0xF7A;
	s5 =	simm.s32 @!p2 $0x0  }
0x1d: {  	s5 =	simm.s32 @p1 $0x1;
	p0 =	seq.s32 s7, s2  }
0x1e: {  	s7 =	smul.u32 @!p0 $0xF7A, s2;
	p2 =	seq.s32 @!p0 s5, $0x0  }
0x1f: {  	s9 =	smul.u32 $0xF7A, s1;
	s8 =	simm.s32 @!p0 $0x1BF5;
	p2 =	por !p2, p0  }
0x20: {  	[sflag:s8] =	ssyncset.s32 @!p0 $0xFFFFF086;
	s6 =	sadd.s32 @!p0 s3, s7;
	s7 =	simm.s32 @!p0 $0x108  }
0x21: {  	s3 =	sadd.s32 s3, s9;
	s6 =	sadd.s32 @!p0 $0x88, s6;
	s7 =	simm.s32 @p2 $0x1082  }
0x22: {  	[simem:s7], [sflag:s8] =	dma.local @!p0 [hbm:s6], $0xF7A  }
0x23: {  	s9 =	sor.u32 $0xD0000000, s2;
	s6 =	simm.s32 $0x108;
	_ =	swait.ge @!p0 [sflag:s8], $0x0  }
0x24: {  	s3 =	sadd.s32 $0x88, s3;
	s6 =	simm.s32 @!p1 $0x1082;
	[sflag:s4] =	ssyncset.s32 $0xFFFFF086  }
0x25: {  	[simem:s6], [sflag:s4] =	dma.local [hbm:s3], $0xF7A  }
0x26: {  	[smem:$0x3F9C] =	sst s1;
	(tag) =	ssettag s2;
	_ =	strace s9  }
0x27: {  	s1 =	sld [smem:$0x3FAC]  }
0x28: {  	s2 =	sld [smem:$0x3FAD]  }
0x29: {  	s4 =	sld [smem:$0x3FAF]  }
0x2a: {  	p0 =	seq.s32 s5, $0x0;
	s5 =	sld [smem:$0x3FB0]  }
0x2b: {  	s6 =	sld [smem:$0x3FB1]  }
0x2c: {  	s7 =	sld [smem:$0x3FB2]  }
0x2d: {  	s3 =	simm.s32 $0x108;
	s8 =	sld [smem:$0x3FB3]  }
0x2e: {  	s3 =	simm.s32 @!p0 $0x1082;
	s9 =	sld [smem:$0x3FB4]  }
0x2f: {  	lr =	sadd.s32 s0, s3;
	s0 =	sld [smem:$0x3FAB]  }
0x30: {  	s3 =	sld [smem:$0x3FAE]  }
0x31: {  	[smem:$0x3FB7] =	sst s10  }
0x32: {  	s10 =	sld [smem:$0x3FB5];
	_ =	sdelay $0x3  }
0x33: {  	p0 =	seq.s32 s10, $0x1;
	s10 =	sld [smem:$0x3FB7];
	_ =	sdelay $0x3  }
0x34: {  	[smem:$0x3FB7] =	sst s10  }
0x35: {  	s10 =	sld [smem:$0x3FB6];
	_ =	sdelay $0x3  }
0x36: {  	p1 =	seq.s32 s10, $0x1;
	s10 =	sld [smem:$0x3FB7];
	_ =	sdelay $0x3  }
0x37: {  	[smem:$0x3FB7] =	sst s10  }
0x38: {  	s10 =	sld [smem:$0x3FB8]  }
0x39: {  	_ = 	snop;
	(pc) =	sbr.ind lr, $3  }
0x3a: {  	_ = 	snop  }
0x3b: {  	_ = 	snop  }
0x3c: {  	p2 =	seq.s32 s10, $0x1;
	s10 =	sld [smem:$0x3FB7]  }
0x3d: {  	_ =	shalt  }
0x3e: {  	_ =	shalt  }
0x3f: {  	_ =	shalt  }
0x40: {  	_ =	shalt  }
0x41: {  	_ =	shalt  }
0x42: {  	_ =	shalt  }
0x43: {  	_ =	shalt  }
0x44: {  	_ =	shalt  }
0x45: {  	_ =	shalt  }
0x46: {  	_ =	shalt  }
0x47: {  	_ =	shalt  }
0x48: {  	_ =	shalt  }
0x49: {  	_ =	shalt  }
0x4a: {  	_ =	shalt  }
0x4b: {  	_ =	shalt  }
0x4c: {  	_ =	shalt  }
0x4d: {  	_ =	shalt  }
0x4e: {  	_ =	shalt  }
0x4f: {  	_ =	shalt  }
0x50: {  	_ =	shalt  }
0x51: {  	_ =	shalt  }
0x52: {  	_ =	shalt  }
0x53: {  	_ =	shalt  }
0x54: {  	_ =	shalt  }
0x55: {  	_ =	shalt  }
0x56: {  	_ =	shalt  }
0x57: {  	_ =	shalt  }
0x58: {  	_ =	shalt  }
0x59: {  	_ =	shalt  }
0x5a: {  	_ =	shalt  }
0x5b: {  	_ =	shalt  }
0x5c: {  	_ =	shalt  }
0x5d: {  	_ =	shalt  }
0x5e: {  	_ =	shalt  }
0x5f: {  	_ =	shalt  }
0x60: {  	_ =	shalt  }
0x61: {  	_ =	shalt  }
0x62: {  	_ =	shalt  }
0x63: {  	_ =	shalt  }
0x64: {  	_ =	shalt  }
0x65: {  	_ =	shalt  }
0x66: {  	_ =	shalt  }
0x67: {  	_ =	shalt  }
0x68: {  	_ =	shalt  }
0x69: {  	_ =	shalt  }
0x6a: {  	_ =	shalt  }
0x6b: {  	_ =	shalt  }
0x6c: {  	_ =	shalt  }
0x6d: {  	_ =	shalt  }
0x6e: {  	_ =	shalt  }
0x6f: {  	_ =	shalt  }
0x70: {  	_ =	shalt  }
0x71: {  	_ =	shalt  }
0x72: {  	_ =	shalt  }
0x73: {  	_ =	shalt  }
0x74: {  	_ =	shalt  }
0x75: {  	_ =	shalt  }
0x76: {  	_ =	shalt  }
0x77: {  	_ =	shalt  }
0x78: {  	_ =	shalt  }
0x79: {  	_ =	shalt  }
0x7a: {  	_ =	shalt  }
0x7b: {  	_ =	shalt  }
0x7c: {  	_ =	shalt  }
0x7d: {  	_ =	shalt  }
0x7e: {  	_ =	shalt  }
0x7f: {  	_ =	shalt  }
0x80: {  	_ =	shalt  }
0x81: {  	_ =	shalt  }
0x82: {  	_ =	shalt  }
0x83: {  	_ =	shalt  }
0x84: {  	_ =	shalt  }
0x85: {  	_ =	shalt  }
0x86: {  	_ =	shalt  }
0x87: {  	_ =	shalt  }
.Lfunc_end0:
.L_simem_size_0:
called_computation_lowered:
.L_overlay_start_0:
0x88: {  	s2 =	sld [smem:$0x3FD9]  }
0x89: {  	s3 =	sld [smem:$0x3FFE];
	_ =	sdelay $0x1  }
0x8a: {  	s1 =	srdreg.scid  }
0x8b: {  	s0 =	sand.u32 $0x1, s1  }
0x8c: {  	s17 =	sshll.u32 s0, $0xA;
	s2 =	sadd.s32 s3, s2  }
0x8d: {  	s2 =	sadd.s32 s2, s17  }
0x8e: {  	[smem:$0x3FC3] =	sst s2  }
0x8f: {  	_ = 	snop  }
0x90: {  	s2 =	sld [smem:$0x3FC9];
	(tm) =	ssettm $0x1  }
0x91: {  	s18 =	sld [smem:$0x3FFB];
	_ =	sdelay $0x3  }
0x92: {  	_ =	strace s18  }
0x93: {  	s3 =	sld [smem:$0x3FFC];
	_ =	sdelay $0x3  }
0x94: {  	_ =	strace s3  }
0x95: {  	s3 =	sld [smem:$0x3FFD];
	_ =	sdelay $0x3  }
0x96: {  	_ =	strace s3  }
0x97: {  	_ =	strace $0x8FFFFFFF  }
0x98: {  	s19 =	sld [smem:$0x3FDB];
	_ =	sdelay $0x1  }
0x99: {  	s4 =	simm.s32 $_scs_section_size  }
0x9a: {  	s5 =	simm.s32 $_size__tile_overlayer_lowered;
	s6 =	simm.s32 $_tile_overlayer_lowered  }
0x9b: {  	s22 =	simm.s32 $0x1BFF;
	s21 =	sshll.u32 s6, $0x1;
	s3 =	sadd.s32 s4, s19  }
0x9c: {  	s7 =	simm.s32 $0x0;
	s20 =	sshll.u32 s5, $0x1;
	s5 =	sadd.s32 s21, s3  }
0x9d: {  	[timem:s7], [sflag:s22] =	dma.local [hbm:s5], s20  }
0x9e: {  	_ =	swait.ge [sflag:s22], s20  }
0x9f: {  	s4 =	ssub.s32 $0x0, s20;
	[sflag:s22] =	ssyncset.done $0x0  }
0xa0: {  	[sflag:s22] =	ssyncadd.s32 s4;
	_ =	sdelay $0x1  }
0xa1: {  	s23 =	simm.s32 $0x1B8B  }
0xa2: {  	_ =	swait.ge [sflag:s23], $0x1  }
0xa3: {  	[sflag:s23] =	ssyncset.done $0x0  }
0xa4: {  	s25 =	simm.s32 $0x1B8E;
	s24 =	sld [smem:$0x3FFE];
	[sflag:s23] =	ssyncadd.s32 $0xFFFFFFFF  }
0xa5: {  	s26 =	simm.s32 $execute0_lowered;
	[smem:$0x3FD2] =	sst s25  }
0xa6: {  	s5 =	sshll.u32 s26, $0x1;
	_ =	strace $0x80000046;
	[dreg:$0x1] =	wrdreg $0xFFFFFFFF  }
0xa7: {  	s28 =	simm.s32 $_size_execute0_lowered;
	s3 =	sadd.s32 s3, s5;
	[dreg:$0x0] =	wrdreg $0x0  }
0xa8: {  	s5 =	sshll.u32 s28, $0x1;
	[dreg:$0x2] =	wrdreg s3  }
0xa9: {  	[dreg:$0x3] =	wrdreg s5  }
0xaa: {  	[dreg:$0x4] =	wrdreg $0xC0  }
0xab: {  	_ =	task [dreg:s7], $0x5FFFF  }
0xac: {  	[dreg:$0x1] =	wrdreg $0xFFFFFFFF  }
0xad: {  	[dreg:$0x0] =	wrdreg $0x60  }
0xae: {  	[dreg:$0x2] =	wrdreg s2  }
0xaf: {  	[dreg:$0x3] =	wrdreg s24  }
0xb0: {  	[dreg:$0x4] =	wrdreg $0x9  }
0xb1: {  	_ =	task.clear_ibuf [dreg:s7], $0x5FFFF;
	_ =	strace $0x90000046  }
0xb2: {  	s29 =	simm.s32 $0x9;
	_ =	strace $0x80000048  }
0xb3: {  	_ =	swait.ge [sflag:s29], $0x1  }
0xb4: {  	[sflag:s29] =	ssyncadd.s32 $0xFFFFFFFF  }
0xb5: {  	_ =	strace $0x90000048  }
0xb6: {  	_ =	sfence  }
0xb7: {  	s30 =	sld [smem:$0x0];
	_ =	sdelay $0x2  }
0xb8: {  	s31 =	sshll.u32 s1, $0xD;
	s1 =	sshrl.u32 s1, $0x2  }
0xb9: {  	s3 =	sand.u32 $0x4000, s31;
	s1 =	sadd.s32 s1, s30  }
0xba: {  	s0 =	sor.u32 s3, s0;
	s1 =	sshll.u32 s1, $0x11  }
0xbb: {  	s0 =	sor.u32 s1, s0  }
0xbc: {  	s0 =	sadd.s32 $0x8F2B, s0  }
0xbd: {  	[sflag:s0] =	ssyncadd.remote.s32 $0x1  }
0xbe: {  	_ =	sfence.sel $0xFFFF  }
0xbf: {  	[dreg:$0x0] =	wrdreg $0xFFFFFFFF;
	(pc) =	sbr.abs _section_cstart, $3  }
0xc0: {  	[dreg:$0x1] =	wrdreg $0xFFFFFFFF  }
0xc1: {  	_ =	task.clear_ibuf [dreg:s7], $0x2FFFF;
	_ =	strace $0x9FFFFFFF  }
0xc2: {  	(tm) =	ssettm $0x7FFFFFFF  }
0xc3: {  	_ =	shalt  }
tec
execute0_lowered:
.L_overlay_start_1:
0x0: {  	(tag) =	ssettag $0x1  }
0x1: {  	s1 =	srdreg.scid;
	s3 =	rddreg [dreg:$0x0]  }
0x2: {  	s0 =	stileid.u32;
	s6 =	rddreg [dreg:$0x1];
	s18 =	simm.s32 $0x880  }
0x3: {  	s19 =	simm.s32 $0x1080;
	s20 =	simm.s32 $0x1880;
	s22 =	simm.s32 $0x2080  }
0x4: {  	s23 =	simm.s32 $0x2880;
	s7 =	simm.s32 $0x3080;
	s24 =	simm.s32 $0x3880  }
0x5: {  	s8 =	simm.s32 $0x4080;
	s25 =	simm.s32 $0x4880;
	s26 =	simm.s32 $0x5080  }
0x6: {  	s9 =	simm.s32 $0x80;
	s1 =	sand.u32 $0x1, s1;
	s2 =	sshll.u32 s0, $0x1  }
0x7: {  	s11 =	simm.s32 $0x6080;
	s4 =	sor.u32 s1, s2;
	s2 =	simm.s32 $0x0  }
0x8: {  	s12 =	simm.s32 $0x6880;
	s13 =	simm.s32 $0x7080;
	[smem:$0x7FF] =	sst s2  }
0x9: {  	s14 =	simm.s32 $0x7880;
	_ =	strace $0x80000047;
	[dreg:$0x5] =	wrdreg s18  }
0xa: {  	s15 =	simm.s32 $0x8080;
	s16 =	simm.s32 $0x8880;
	[dreg:$0x6] =	wrdreg s19  }
0xb: {  	s17 =	simm.s32 $0x9080;
	s28 =	simm.s32 $0xE080;
	[dreg:$0x7] =	wrdreg s20  }
0xc: {  	s29 =	simm.s32 $0xE880;
	s30 =	simm.s32 $0xF080;
	[dreg:$0x8] =	wrdreg s22  }
0xd: {  	s31 =	simm.s32 $0xF880;
	s1 =	ssub.s32 $0x2, s1;
	[dreg:$0x9] =	wrdreg s23  }
0xe: {  	s5 =	sshll.u32 s4, $0x4;
	s4 =	sshll.u32 s4, $0xD;
	[dreg:$0xa] =	wrdreg s7  }
0xf: {  	s21 =	sshrl.u32 s1, $0x1;
	s5 =	sadd.s32 s5, s6;
	[dreg:$0xb] =	wrdreg s24  }
0x10: {  	s3 =	sadd.s32 s3, s4;
	s1 =	ssub.s32 s1, s21;
	[dreg:$0xc] =	wrdreg s8  }
0x11: {  	s4 =	sadd.s32 $0x1D00, s6;
	s8 =	simm.s32 $0x2;
	[dreg:$0xd] =	wrdreg s25  }
0x12: {  	[dreg:$0xe] =	wrdreg s26;
	s18 =	simm.s32 $0x9880;
	s19 =	simm.s32 $0xA080  }
0x13: {  	s20 =	simm.s32 $0xA880;
	s21 =	simm.s32 $0xB080;
	s22 =	simm.s32 $0xB880  }
0x14: {  	s23 =	simm.s32 $0xC080;
	s24 =	simm.s32 $0xC880;
	s25 =	simm.s32 $0xD080  }
0x15: {  	v2 =	vlaneseq.u32;
	s26 =	simm.s32 $0xD880;
	s5 =	sadd.s32 $0x1A00, s5;
	[dreg:$0x4] =	wrdreg s3  }
0x16: {  	vm0 =	vmmov $0xffff;
	v1 =	vshrl.u32 v2, $0x3;
	s3 =	sadd.s32 $0x1C00, s6;
	s7 =	smax.u32 s1, $0x1;
	s1 =	simm.s32 $0x1  }
0x17: {  	v0 =	vand.u32 $0x7, v2;
	v2 =	vor.u32 $0x8, v2;
	v1 =	vmul.u32 $0x8, v1;
	[dreg:$0x3] =	wrdreg s5;
	s5 =	sadd.s32 $0x1E00, s6;
	s6 =	sadd.s32 $0x1F00, s6  }
.LBB2_1:
0x18: {  	s0 =	rddreg [dreg:$0x3]  }
0x19: {  	[tilespmem:s2], [sflag:$0x2] =	stream.linear.gather [hbm4b:s0+s2], $0x80, $0x38;
	[tilespmem:$0x10080] =	vst v63  }
0x1a: {  	_ =	swait.ge [sflag:s8], $0x80  }
0x1b: {  	[sflag:s8] =	ssyncset.done $0x0  }
0x1c: {  	s10 =	rddreg [dreg:$0x4];
	[sflag:s8] =	ssyncadd.s32 $0xFFFFFF80  }
0x1d: {  	[tilespmem:s9], [sflag:$0x2] =	stream.linear.gather [hbm4b:s10+s2], $0x10000, $0x38;
	[tilespmem:$0x10080] =	vst v63  }
0x1e: {  	_ =	swait.ge [sflag:s8], $0x10000  }
0x1f: {  	[sflag:s8] =	ssyncset.done $0x0  }
0x20: {  	[sflag:s8] =	ssyncadd.s32 $0xFFFF0000  }
0x21: {  	v3 =	vld [tilespmem:$0x0];
	_ =	sdelay $0x4  }
0x22: {  	v4 =	vshll.u32 v3, $0x3  }
0x23: {  	v3 =	vand.u32 $0x7, v3;
	v4 =	vand.u32 $0xFFFFFFC0, v4  }
0x24: {  	v3 =	vor.u32 v3, v4  }
0x25: {  	v4 =	vperm.xlane v3, v0;
	_ =	sdelay $0x1  }
0x26: {  	v4 =	vadd.s32 v1, v4;
	_ =	sdelay $0x4  }
0x27: {  	[hbm4b:s3+s2] =	stream.indirect_vreg.scatter [tilespmem:s9], [sflag:$0x1], $0x80, v4, vm0, $0xb8;
	[tilespmem:$0x10080] =	vst v63  }
0x28: {  	s0 =	rddreg [dreg:$0x5];
	v3 =	vperm.xlane v3, v2  }
0x29: {  	[hbm4b:s4+s2] =	stream.indirect_vreg.scatter [tilespmem:s0], [sflag:$0x1], $0x80, v4, vm0, $0xb8;
	[tilespmem:$0x10080] =	vst v63  }
0x2a: {  	s10 =	rddreg [dreg:$0x6];
	v3 =	vadd.s32 v1, v3  }
0x2b: {  	[hbm4b:s5+s2] =	stream.indirect_vreg.scatter [tilespmem:s10], [sflag:$0x1], $0x80, v4, vm0, $0xb8;
	[tilespmem:$0x10080] =	vst v63  }
0x2c: {  	s0 =	rddreg [dreg:$0x7]  }
0x2d: {  	[hbm4b:s6+s2] =	stream.indirect_vreg.scatter [tilespmem:s0], [sflag:$0x1], $0x80, v4, vm0, $0xb8;
	[tilespmem:$0x10080] =	vst v63  }
0x2e: {  	s10 =	rddreg [dreg:$0x8]  }
0x2f: {  	[hbm4b:s3+s2] =	stream.indirect_vreg.scatter [tilespmem:s10], [sflag:$0x1], $0x80, v3, vm0, $0xb8;
	[tilespmem:$0x10080] =	vst v63  }
0x30: {  	s0 =	rddreg [dreg:$0x9]  }
0x31: {  	[hbm4b:s4+s2] =	stream.indirect_vreg.scatter [tilespmem:s0], [sflag:$0x1], $0x80, v3, vm0, $0xb8;
	[tilespmem:$0x10080] =	vst v63  }
0x32: {  	s10 =	rddreg [dreg:$0xa]  }
0x33: {  	[hbm4b:s5+s2] =	stream.indirect_vreg.scatter [tilespmem:s10], [sflag:$0x1], $0x80, v3, vm0, $0xb8;
	[tilespmem:$0x10080] =	vst v63  }
0x34: {  	s0 =	rddreg [dreg:$0xb]  }
0x35: {  	[hbm4b:s6+s2] =	stream.indirect_vreg.scatter [tilespmem:s0], [sflag:$0x1], $0x80, v3, vm0, $0xb8;
	[tilespmem:$0x10080] =	vst v63  }
0x36: {  	v3 =	vld [tilespmem:$0x10];
	_ =	sdelay $0x4  }
0x37: {  	v61 =	vshll.u32 v3, $0x3  }
0x38: {  	v3 =	vand.u32 $0x7, v3;
	v4 =	vand.u32 $0xFFFFFFC0, v61  }
0x39: {  	v3 =	vor.u32 v3, v4  }
0x3a: {  	v4 =	vperm.xlane v3, v0;
	_ =	sdelay $0x1  }
0x3b: {  	v4 =	vadd.s32 v1, v4;
	_ =	sdelay $0x3  }
0x3c: {  	s0 =	rddreg [dreg:$0xc]  }
0x3d: {  	[hbm4b:s3+s2] =	stream.indirect_vreg.scatter [tilespmem:s0], [sflag:$0x1], $0x80, v4, vm0, $0xb8;
	[tilespmem:$0x10080] =	vst v63  }
0x3e: {  	s10 =	rddreg [dreg:$0xd];
	v3 =	vperm.xlane v3, v2  }
0x3f: {  	[hbm4b:s4+s2] =	stream.indirect_vreg.scatter [tilespmem:s10], [sflag:$0x1], $0x80, v4, vm0, $0xb8;
	[tilespmem:$0x10080] =	vst v63  }
0x40: {  	v3 =	vadd.s32 v1, v3;
	s0 =	rddreg [dreg:$0xe]  }
0x41: {  	[hbm4b:s5+s2] =	stream.indirect_vreg.scatter [tilespmem:s0], [sflag:$0x1], $0x80, v4, vm0, $0xb8;
	[tilespmem:$0x10080] =	vst v63  }
0x42: {  	s10 =	simm.s32 $0x5880  }
0x43: {  	[hbm4b:s6+s2] =	stream.indirect_vreg.scatter [tilespmem:s10], [sflag:$0x1], $0x80, v4, vm0, $0xb8;
	[tilespmem:$0x10080] =	vst v63  }
0x44: {  	_ = 	snop  }
0x45: {  	[hbm4b:s3+s2] =	stream.indirect_vreg.scatter [tilespmem:s11], [sflag:$0x1], $0x80, v3, vm0, $0xb8;
	[tilespmem:$0x10080] =	vst v63  }
0x46: {  	_ = 	snop  }
0x47: {  	[hbm4b:s4+s2] =	stream.indirect_vreg.scatter [tilespmem:s12], [sflag:$0x1], $0x80, v3, vm0, $0xb8;
	[tilespmem:$0x10080] =	vst v63  }
0x48: {  	_ = 	snop  }
0x49: {  	[hbm4b:s5+s2] =	stream.indirect_vreg.scatter [tilespmem:s13], [sflag:$0x1], $0x80, v3, vm0, $0xb8;
	[tilespmem:$0x10080] =	vst v63  }
0x4a: {  	_ = 	snop  }
0x4b: {  	[hbm4b:s6+s2] =	stream.indirect_vreg.scatter [tilespmem:s14], [sflag:$0x1], $0x80, v3, vm0, $0xb8;
	[tilespmem:$0x10080] =	vst v63  }
0x4c: {  	v3 =	vld [tilespmem:$0x20];
	_ =	sdelay $0x4  }
0x4d: {  	v62 =	vshll.u32 v3, $0x3  }
0x4e: {  	v3 =	vand.u32 $0x7, v3;
	v4 =	vand.u32 $0xFFFFFFC0, v62  }
0x4f: {  	v3 =	vor.u32 v3, v4  }
0x50: {  	v4 =	vperm.xlane v3, v0;
	_ =	sdelay $0x1  }
0x51: {  	v4 =	vadd.s32 v1, v4;
	_ =	sdelay $0x4  }
0x52: {  	[hbm4b:s3+s2] =	stream.indirect_vreg.scatter [tilespmem:s15], [sflag:$0x1], $0x80, v4, vm0, $0xb8;
	[tilespmem:$0x10080] =	vst v63  }
0x53: {  	v3 =	vperm.xlane v3, v2  }
0x54: {  	[hbm4b:s4+s2] =	stream.indirect_vreg.scatter [tilespmem:s16], [sflag:$0x1], $0x80, v4, vm0, $0xb8;
	[tilespmem:$0x10080] =	vst v63  }
0x55: {  	v3 =	vadd.s32 v1, v3  }
0x56: {  	[hbm4b:s5+s2] =	stream.indirect_vreg.scatter [tilespmem:s17], [sflag:$0x1], $0x80, v4, vm0, $0xb8;
	[tilespmem:$0x10080] =	vst v63  }
0x57: {  	_ = 	snop  }
0x58: {  	[hbm4b:s6+s2] =	stream.indirect_vreg.scatter [tilespmem:s18], [sflag:$0x1], $0x80, v4, vm0, $0xb8;
	[tilespmem:$0x10080] =	vst v63  }
0x59: {  	_ = 	snop  }
0x5a: {  	[hbm4b:s3+s2] =	stream.indirect_vreg.scatter [tilespmem:s19], [sflag:$0x1], $0x80, v3, vm0, $0xb8;
	[tilespmem:$0x10080] =	vst v63  }
0x5b: {  	_ = 	snop  }
0x5c: {  	[hbm4b:s4+s2] =	stream.indirect_vreg.scatter [tilespmem:s20], [sflag:$0x1], $0x80, v3, vm0, $0xb8;
	[tilespmem:$0x10080] =	vst v63  }
0x5d: {  	_ = 	snop  }
0x5e: {  	[hbm4b:s5+s2] =	stream.indirect_vreg.scatter [tilespmem:s21], [sflag:$0x1], $0x80, v3, vm0, $0xb8;
	[tilespmem:$0x10080] =	vst v63  }
0x5f: {  	_ = 	snop  }
0x60: {  	[hbm4b:s6+s2] =	stream.indirect_vreg.scatter [tilespmem:s22], [sflag:$0x1], $0x80, v3, vm0, $0xb8;
	[tilespmem:$0x10080] =	vst v63  }
0x61: {  	v3 =	vld [tilespmem:$0x30];
	_ =	sdelay $0x4  }
0x62: {  	v63 =	vshll.u32 v3, $0x3  }
0x63: {  	v3 =	vand.u32 $0x7, v3;
	v4 =	vand.u32 $0xFFFFFFC0, v63  }
0x64: {  	v3 =	vor.u32 v3, v4  }
0x65: {  	v4 =	vperm.xlane v3, v0;
	_ =	sdelay $0x1  }
0x66: {  	v4 =	vadd.s32 v1, v4;
	_ =	sdelay $0x4  }
0x67: {  	[hbm4b:s3+s2] =	stream.indirect_vreg.scatter [tilespmem:s23], [sflag:$0x1], $0x80, v4, vm0, $0xb8;
	[tilespmem:$0x10080] =	vst v63  }
0x68: {  	v3 =	vperm.xlane v3, v2  }
0x69: {  	[hbm4b:s4+s2] =	stream.indirect_vreg.scatter [tilespmem:s24], [sflag:$0x1], $0x80, v4, vm0, $0xb8;
	[tilespmem:$0x10080] =	vst v63  }
0x6a: {  	v3 =	vadd.s32 v1, v3  }
0x6b: {  	[hbm4b:s5+s2] =	stream.indirect_vreg.scatter [tilespmem:s25], [sflag:$0x1], $0x80, v4, vm0, $0xb8;
	[tilespmem:$0x10080] =	vst v63  }
0x6c: {  	_ = 	snop  }
0x6d: {  	[hbm4b:s6+s2] =	stream.indirect_vreg.scatter [tilespmem:s26], [sflag:$0x1], $0x80, v4, vm0, $0xb8;
	[tilespmem:$0x10080] =	vst v63  }
0x6e: {  	_ = 	snop  }
0x6f: {  	[hbm4b:s3+s2] =	stream.indirect_vreg.scatter [tilespmem:s28], [sflag:$0x1], $0x80, v3, vm0, $0xb8;
	[tilespmem:$0x10080] =	vst v63  }
0x70: {  	_ = 	snop  }
0x71: {  	[hbm4b:s4+s2] =	stream.indirect_vreg.scatter [tilespmem:s29], [sflag:$0x1], $0x80, v3, vm0, $0xb8;
	[tilespmem:$0x10080] =	vst v63  }
0x72: {  	p0 =	sne.s32 s7, $0x1  }
0x73: {  	[hbm4b:s5+s2] =	stream.indirect_vreg.scatter [tilespmem:s30], [sflag:$0x1], $0x80, v3, vm0, $0xb8;
	[tilespmem:$0x10080] =	vst v63  }
.Ltmp0:
0x74: {  	_ = 	snop;
	(pc) =	sbr.rel @p0 .LBB2_1-.Ltmp0, $4  }
0x75: {  	[hbm4b:s6+s2] =	stream.indirect_vreg.scatter [tilespmem:s31], [sflag:$0x1], $0x80, v3, vm0, $0xb8;
	[tilespmem:$0x10080] =	vst v63  }
0x76: {  	_ =	swait.ge [sflag:s1], $0x10000  }
0x77: {  	[sflag:s1] =	ssyncset.done $0x0  }
0x78: {  	s7 =	sadd.s32 $0xFFFFFFFF, s7;
	[sflag:s1] =	ssyncadd.s32 $0xFFFF0000  }
0x79: {  	_ =	sfence.sel $0x180000  }
0x7a: {  	[bflag:$0x0] =	sbarrier.arrive $0xFFFF  }
0x7b: {  	_ =	strace $0x90000047  }
0x7c: {  	s0 =	stileid.u32;
	[bflag:$0x2] =	sbarrier.arrive $0xFFFF  }
0x7d: {  	p0 =	sne.s32 s0, $0x0;
	s0 =	rddreg [dreg:$0x2]  }
0x7e: {  	s0 =	sadd.s32 @!p0 $0x100000, s0  }
0x7f: {  	[sflag:s0] =	ssyncadd.tile.s32 @!p0 $0x1;
	_ =	shalt  }
.Lfunc_end2:
_tile_overlayer_lowered:
.L_overlay_start_2:
0x80: {  	(tag) =	ssettag $0x2  }
0x81: {  	s0 =	rddreg [dreg:$0x0];
	s2 =	stileid.u32  }
0x82: {  	s1 =	rddreg [dreg:$0x1];
	p0 =	sne.s32 s2, $0x0  }
0x83: {  	s3 =	rddreg [dreg:$0x2];
	[bflag:$0x3] =	sbarrier.arrive $0xFFFF;
	s2 =	simm.s32 @!p0 $0x1C02  }
0x84: {  	[timem:s3], [sflag:s2] =	dma.local @!p0 [hbm:s0], s1  }
0x85: {  	s0 =	simm.s32 @!p0 $0x2  }
0x86: {  	_ =	swait.ge @!p0 [sflag:s0], s1  }
0x87: {  	s1 =	ssub.s32 @!p0 $0x0, s1;
	[sflag:s0] =	ssyncset.done @!p0 $0x0  }
0x88: {  	[sflag:s0] =	ssyncadd.s32 @!p0 s1  }
0x89: {  	[bflag:$0x3] =	sbarrier.arrive $0xFFFF  }
0x8a: {  	_ =	shalt  }

// kernel: kernel.9.cloned.1.call-start
scs
__scs_entry_jumppad:
0x0: {  	(pc) =	sbr.rel $0x88, $3  }
0x1: {  	(tag) =	ssettag $0x0;
	lr =	simm.s32 $0x1  }
0x2: {  	[smem:$0x3F9C] =	sst lr;
	_ =	strace $0xD0000000  }
0x3: {  	_ = 	snop  }
0x4: {  	_ = 	snop  }
0x5: {  	_ = 	snop  }
0x6: {  	_ = 	snop  }
0x7: {  	_ = 	snop  }
__scs_overlays_trampoline_lowered:
0x8: {  	[smem:$0x3FAB] =	sst s0  }
0x9: {  	[smem:$0x3FAC] =	sst s1  }
0xa: {  	[smem:$0x3FAD] =	sst s2  }
0xb: {  	[smem:$0x3FAE] =	sst s3  }
0xc: {  	[smem:$0x3FAF] =	sst s4  }
0xd: {  	[smem:$0x3FB0] =	sst s5  }
0xe: {  	[smem:$0x3FB1] =	sst s6  }
0xf: {  	[smem:$0x3FB2] =	sst s7  }
0x10: {  	[smem:$0x3FB3] =	sst s8  }
0x11: {  	[smem:$0x3FB4] =	sst s9;
	s0 =	simm.s32 @!p0 $0x0  }
0x12: {  	s1 =	sld [smem:$0x3F9A];
	s0 =	simm.s32 @p0 $0x1  }
0x13: {  	[smem:$0x3FB5] =	sst s0;
	s0 =	simm.s32 @!p1 $0x0  }
0x14: {  	s2 =	sld [smem:$0x3F99];
	s0 =	simm.s32 @p1 $0x1  }
0x15: {  	[smem:$0x3FB6] =	sst s0;
	s0 =	simm.s32 @!p2 $0x0  }
0x16: {  	s3 =	sld [smem:$0x3FDB];
	s0 =	simm.s32 @p2 $0x1  }
0x17: {  	s4 =	simm.s32 $0x1BF5;
	[smem:$0x3FB8] =	sst s0  }
0x18: {  	s0 =	sld [smem:$0x3F9B];
	_ =	swait.ge [sflag:s4], $0x0  }
0x19: {  	s7 =	sld [smem:$0x3F9C]  }
0x1a: {  	s8 =	sadd.s32 $0xFFFFE003, lr  }
0x1b: {  	s9 =	sadd.s32 $0xFFFFFEF7, lr;
	s5 =	simm.s32 $0xFFFFFFFF;
	p2 =	slt.u32 s8, $0xFFFFF086  }
0x1c: {  	p1 =	slt.u32 s9, $0xF7A;
	s5 =	simm.s32 @!p2 $0x0  }
0x1d: {  	s5 =	simm.s32 @p1 $0x1;
	p0 =	seq.s32 s7, s2  }
0x1e: {  	s7 =	smul.u32 @!p0 $0xF7A, s2;
	p2 =	seq.s32 @!p0 s5, $0x0  }
0x1f: {  	s9 =	smul.u32 $0xF7A, s1;
	s8 =	simm.s32 @!p0 $0x1BF5;
	p2 =	por !p2, p0  }
0x20: {  	[sflag:s8] =	ssyncset.s32 @!p0 $0xFFFFF086;
	s6 =	sadd.s32 @!p0 s3, s7;
	s7 =	simm.s32 @!p0 $0x108  }
0x21: {  	s3 =	sadd.s32 s3, s9;
	s6 =	sadd.s32 @!p0 $0x88, s6;
	s7 =	simm.s32 @p2 $0x1082  }
0x22: {  	[simem:s7], [sflag:s8] =	dma.local @!p0 [hbm:s6], $0xF7A  }
0x23: {  	s9 =	sor.u32 $0xD0000000, s2;
	s6 =	simm.s32 $0x108;
	_ =	swait.ge @!p0 [sflag:s8], $0x0  }
0x24: {  	s3 =	sadd.s32 $0x88, s3;
	s6 =	simm.s32 @!p1 $0x1082;
	[sflag:s4] =	ssyncset.s32 $0xFFFFF086  }
0x25: {  	[simem:s6], [sflag:s4] =	dma.local [hbm:s3], $0xF7A  }
0x26: {  	[smem:$0x3F9C] =	sst s1;
	(tag) =	ssettag s2;
	_ =	strace s9  }
0x27: {  	s1 =	sld [smem:$0x3FAC]  }
0x28: {  	s2 =	sld [smem:$0x3FAD]  }
0x29: {  	s4 =	sld [smem:$0x3FAF]  }
0x2a: {  	p0 =	seq.s32 s5, $0x0;
	s5 =	sld [smem:$0x3FB0]  }
0x2b: {  	s6 =	sld [smem:$0x3FB1]  }
0x2c: {  	s7 =	sld [smem:$0x3FB2]  }
0x2d: {  	s3 =	simm.s32 $0x108;
	s8 =	sld [smem:$0x3FB3]  }
0x2e: {  	s3 =	simm.s32 @!p0 $0x1082;
	s9 =	sld [smem:$0x3FB4]  }
0x2f: {  	lr =	sadd.s32 s0, s3;
	s0 =	sld [smem:$0x3FAB]  }
0x30: {  	s3 =	sld [smem:$0x3FAE]  }
0x31: {  	[smem:$0x3FB7] =	sst s10  }
0x32: {  	s10 =	sld [smem:$0x3FB5];
	_ =	sdelay $0x3  }
0x33: {  	p0 =	seq.s32 s10, $0x1;
	s10 =	sld [smem:$0x3FB7];
	_ =	sdelay $0x3  }
0x34: {  	[smem:$0x3FB7] =	sst s10  }
0x35: {  	s10 =	sld [smem:$0x3FB6];
	_ =	sdelay $0x3  }
0x36: {  	p1 =	seq.s32 s10, $0x1;
	s10 =	sld [smem:$0x3FB7];
	_ =	sdelay $0x3  }
0x37: {  	[smem:$0x3FB7] =	sst s10  }
0x38: {  	s10 =	sld [smem:$0x3FB8]  }
0x39: {  	_ = 	snop;
	(pc) =	sbr.ind lr, $3  }
0x3a: {  	_ = 	snop  }
0x3b: {  	_ = 	snop  }
0x3c: {  	p2 =	seq.s32 s10, $0x1;
	s10 =	sld [smem:$0x3FB7]  }
0x3d: {  	_ =	shalt  }
0x3e: {  	_ =	shalt  }
0x3f: {  	_ =	shalt  }
0x40: {  	_ =	shalt  }
0x41: {  	_ =	shalt  }
0x42: {  	_ =	shalt  }
0x43: {  	_ =	shalt  }
0x44: {  	_ =	shalt  }
0x45: {  	_ =	shalt  }
0x46: {  	_ =	shalt  }
0x47: {  	_ =	shalt  }
0x48: {  	_ =	shalt  }
0x49: {  	_ =	shalt  }
0x4a: {  	_ =	shalt  }
0x4b: {  	_ =	shalt  }
0x4c: {  	_ =	shalt  }
0x4d: {  	_ =	shalt  }
0x4e: {  	_ =	shalt  }
0x4f: {  	_ =	shalt  }
0x50: {  	_ =	shalt  }
0x51: {  	_ =	shalt  }
0x52: {  	_ =	shalt  }
0x53: {  	_ =	shalt  }
0x54: {  	_ =	shalt  }
0x55: {  	_ =	shalt  }
0x56: {  	_ =	shalt  }
0x57: {  	_ =	shalt  }
0x58: {  	_ =	shalt  }
0x59: {  	_ =	shalt  }
0x5a: {  	_ =	shalt  }
0x5b: {  	_ =	shalt  }
0x5c: {  	_ =	shalt  }
0x5d: {  	_ =	shalt  }
0x5e: {  	_ =	shalt  }
0x5f: {  	_ =	shalt  }
0x60: {  	_ =	shalt  }
0x61: {  	_ =	shalt  }
0x62: {  	_ =	shalt  }
0x63: {  	_ =	shalt  }
0x64: {  	_ =	shalt  }
0x65: {  	_ =	shalt  }
0x66: {  	_ =	shalt  }
0x67: {  	_ =	shalt  }
0x68: {  	_ =	shalt  }
0x69: {  	_ =	shalt  }
0x6a: {  	_ =	shalt  }
0x6b: {  	_ =	shalt  }
0x6c: {  	_ =	shalt  }
0x6d: {  	_ =	shalt  }
0x6e: {  	_ =	shalt  }
0x6f: {  	_ =	shalt  }
0x70: {  	_ =	shalt  }
0x71: {  	_ =	shalt  }
0x72: {  	_ =	shalt  }
0x73: {  	_ =	shalt  }
0x74: {  	_ =	shalt  }
0x75: {  	_ =	shalt  }
0x76: {  	_ =	shalt  }
0x77: {  	_ =	shalt  }
0x78: {  	_ =	shalt  }
0x79: {  	_ =	shalt  }
0x7a: {  	_ =	shalt  }
0x7b: {  	_ =	shalt  }
0x7c: {  	_ =	shalt  }
0x7d: {  	_ =	shalt  }
0x7e: {  	_ =	shalt  }
0x7f: {  	_ =	shalt  }
0x80: {  	_ =	shalt  }
0x81: {  	_ =	shalt  }
0x82: {  	_ =	shalt  }
0x83: {  	_ =	shalt  }
0x84: {  	_ =	shalt  }
0x85: {  	_ =	shalt  }
0x86: {  	_ =	shalt  }
0x87: {  	_ =	shalt  }
.Lfunc_end0:
.L_simem_size_0:
called_computation.1_lowered:
.L_overlay_start_0:
0x88: {  	s2 =	sld [smem:$0x3FD9]  }
0x89: {  	s3 =	sld [smem:$0x3FFE];
	_ =	sdelay $0x1  }
0x8a: {  	s1 =	srdreg.scid  }
0x8b: {  	s0 =	sand.u32 $0x1, s1  }
0x8c: {  	s17 =	sshll.u32 s0, $0xA;
	s2 =	sadd.s32 s3, s2  }
0x8d: {  	s2 =	sadd.s32 s2, s17  }
0x8e: {  	[smem:$0x3FC3] =	sst s2  }
0x8f: {  	_ = 	snop  }
0x90: {  	s2 =	sld [smem:$0x3FD0];
	(tm) =	ssettm $0x1  }
0x91: {  	s18 =	sld [smem:$0x3FFB];
	_ =	sdelay $0x3  }
0x92: {  	_ =	strace s18  }
0x93: {  	s3 =	sld [smem:$0x3FFC];
	_ =	sdelay $0x3  }
0x94: {  	_ =	strace s3  }
0x95: {  	s3 =	sld [smem:$0x3FFD];
	_ =	sdelay $0x3  }
0x96: {  	_ =	strace s3  }
0x97: {  	_ =	strace $0x8FFFFFFF  }
0x98: {  	s19 =	sld [smem:$0x3FDB];
	_ =	sdelay $0x1  }
0x99: {  	s4 =	simm.s32 $_scs_section_size  }
0x9a: {  	s5 =	simm.s32 $_size__tile_overlayer_lowered;
	s6 =	simm.s32 $_tile_overlayer_lowered  }
0x9b: {  	s22 =	simm.s32 $0x1BFF;
	s21 =	sshll.u32 s6, $0x1;
	s3 =	sadd.s32 s4, s19  }
0x9c: {  	s7 =	simm.s32 $0x0;
	s20 =	sshll.u32 s5, $0x1;
	s5 =	sadd.s32 s21, s3  }
0x9d: {  	[timem:s7], [sflag:s22] =	dma.local [hbm:s5], s20  }
0x9e: {  	_ =	swait.ge [sflag:s22], s20  }
0x9f: {  	s4 =	ssub.s32 $0x0, s20;
	[sflag:s22] =	ssyncset.done $0x0  }
0xa0: {  	[sflag:s22] =	ssyncadd.s32 s4;
	_ =	sdelay $0x1  }
0xa1: {  	s23 =	simm.s32 $0x1B8B  }
0xa2: {  	_ =	swait.ge [sflag:s23], $0x1  }
0xa3: {  	[sflag:s23] =	ssyncset.done $0x0  }
0xa4: {  	s25 =	simm.s32 $0x1B8E;
	s24 =	sld [smem:$0x3FFE];
	[sflag:s23] =	ssyncadd.s32 $0xFFFFFFFF  }
0xa5: {  	s26 =	simm.s32 $execute0_lowered;
	[smem:$0x3FD2] =	sst s25  }
0xa6: {  	s5 =	sshll.u32 s26, $0x1;
	_ =	strace $0x80000049;
	[dreg:$0x1] =	wrdreg $0xFFFFFFFF  }
0xa7: {  	s28 =	simm.s32 $_size_execute0_lowered;
	s3 =	sadd.s32 s3, s5;
	[dreg:$0x0] =	wrdreg $0x0  }
0xa8: {  	s5 =	sshll.u32 s28, $0x1;
	[dreg:$0x2] =	wrdreg s3  }
0xa9: {  	[dreg:$0x3] =	wrdreg s5  }
0xaa: {  	[dreg:$0x4] =	wrdreg $0xC0  }
0xab: {  	_ =	task [dreg:s7], $0x5FFFF  }
0xac: {  	[dreg:$0x1] =	wrdreg $0xFFFFFFFF  }
0xad: {  	[dreg:$0x0] =	wrdreg $0x60  }
0xae: {  	[dreg:$0x2] =	wrdreg s24  }
0xaf: {  	[dreg:$0x3] =	wrdreg s2  }
0xb0: {  	[dreg:$0x4] =	wrdreg $0x9  }
0xb1: {  	_ =	task.clear_ibuf [dreg:s7], $0x5FFFF;
	_ =	strace $0x90000049  }
0xb2: {  	s29 =	simm.s32 $0x9;
	_ =	strace $0x8000004B  }
0xb3: {  	_ =	swait.ge [sflag:s29], $0x1  }
0xb4: {  	[sflag:s29] =	ssyncadd.s32 $0xFFFFFFFF  }
0xb5: {  	_ =	strace $0x9000004B  }
0xb6: {  	_ =	sfence  }
0xb7: {  	s30 =	sld [smem:$0x0];
	_ =	sdelay $0x2  }
0xb8: {  	s31 =	sshll.u32 s1, $0xD;
	s1 =	sshrl.u32 s1, $0x2  }
0xb9: {  	s3 =	sand.u32 $0x4000, s31;
	s1 =	sadd.s32 s1, s30  }
0xba: {  	s0 =	sor.u32 s3, s0;
	s1 =	sshll.u32 s1, $0x11  }
0xbb: {  	s0 =	sor.u32 s1, s0  }
0xbc: {  	s0 =	sadd.s32 $0x8F2B, s0  }
0xbd: {  	[sflag:s0] =	ssyncadd.remote.s32 $0x1  }
0xbe: {  	_ =	sfence.sel $0xFFFF  }
0xbf: {  	[dreg:$0x0] =	wrdreg $0xFFFFFFFF;
	(pc) =	sbr.abs _section_cstart, $3  }
0xc0: {  	[dreg:$0x1] =	wrdreg $0xFFFFFFFF  }
0xc1: {  	_ =	task.clear_ibuf [dreg:s7], $0x2FFFF;
	_ =	strace $0x9FFFFFFF  }
0xc2: {  	(tm) =	ssettm $0x7FFFFFFF  }
0xc3: {  	_ =	shalt  }
tec
execute0_lowered:
.L_overlay_start_1:
0x0: {  	(tag) =	ssettag $0x1  }
0x1: {  	s1 =	srdreg.scid;
	s6 =	rddreg [dreg:$0x0]  }
0x2: {  	s0 =	stileid.u32;
	s3 =	rddreg [dreg:$0x1];
	s18 =	simm.s32 $0x880  }
0x3: {  	s19 =	simm.s32 $0x1080;
	s20 =	simm.s32 $0x1880;
	s22 =	simm.s32 $0x2080  }
0x4: {  	s23 =	simm.s32 $0x2880;
	s7 =	simm.s32 $0x3080;
	s24 =	simm.s32 $0x3880  }
0x5: {  	s8 =	simm.s32 $0x4080;
	s25 =	simm.s32 $0x4880;
	s26 =	simm.s32 $0x5080  }
0x6: {  	s9 =	simm.s32 $0x80;
	s1 =	sand.u32 $0x1, s1;
	s2 =	sshll.u32 s0, $0x1  }
0x7: {  	s11 =	simm.s32 $0x6080;
	s4 =	sor.u32 s1, s2;
	s2 =	simm.s32 $0x0  }
0x8: {  	s12 =	simm.s32 $0x6880;
	s13 =	simm.s32 $0x7080;
	[smem:$0x7FF] =	sst s2  }
0x9: {  	s14 =	simm.s32 $0x7880;
	_ =	strace $0x8000004A;
	[dreg:$0x5] =	wrdreg s18  }
0xa: {  	s15 =	simm.s32 $0x8080;
	s16 =	simm.s32 $0x8880;
	[dreg:$0x6] =	wrdreg s19  }
0xb: {  	s17 =	simm.s32 $0x9080;
	s28 =	simm.s32 $0xE080;
	[dreg:$0x7] =	wrdreg s20  }
0xc: {  	s29 =	simm.s32 $0xE880;
	s30 =	simm.s32 $0xF080;
	[dreg:$0x8] =	wrdreg s22  }
0xd: {  	s31 =	simm.s32 $0xF880;
	s1 =	ssub.s32 $0x2, s1;
	[dreg:$0x9] =	wrdreg s23  }
0xe: {  	s5 =	sshll.u32 s4, $0x4;
	s4 =	sshll.u32 s4, $0xD;
	[dreg:$0xa] =	wrdreg s7  }
0xf: {  	s21 =	sshrl.u32 s1, $0x1;
	s5 =	sadd.s32 s5, s6;
	[dreg:$0xb] =	wrdreg s24  }
0x10: {  	s3 =	sadd.s32 s3, s4;
	s1 =	ssub.s32 s1, s21;
	[dreg:$0xc] =	wrdreg s8  }
0x11: {  	s4 =	sadd.s32 $0x9DD00, s6;
	s8 =	simm.s32 $0x2;
	[dreg:$0xd] =	wrdreg s25  }
0x12: {  	[dreg:$0xe] =	wrdreg s26;
	s18 =	simm.s32 $0x9880;
	s19 =	simm.s32 $0xA080  }
0x13: {  	s20 =	simm.s32 $0xA880;
	s21 =	simm.s32 $0xB080;
	s22 =	simm.s32 $0xB880  }
0x14: {  	s23 =	simm.s32 $0xC080;
	s24 =	simm.s32 $0xC880;
	s25 =	simm.s32 $0xD080  }
0x15: {  	v2 =	vlaneseq.u32;
	s26 =	simm.s32 $0xD880;
	s5 =	sadd.s32 $0x1A00, s5;
	[dreg:$0x4] =	wrdreg s3  }
0x16: {  	vm0 =	vmmov $0xffff;
	v1 =	vshrl.u32 v2, $0x3;
	s3 =	sadd.s32 $0x9DC00, s6;
	s7 =	smax.u32 s1, $0x1;
	s1 =	simm.s32 $0x1  }
0x17: {  	v0 =	vand.u32 $0x7, v2;
	v2 =	vor.u32 $0x8, v2;
	v1 =	vmul.u32 $0x8, v1;
	[dreg:$0x3] =	wrdreg s5;
	s5 =	sadd.s32 $0x9DE00, s6;
	s6 =	sadd.s32 $0x9DF00, s6  }
.LBB2_1:
0x18: {  	s0 =	rddreg [dreg:$0x3]  }
0x19: {  	[tilespmem:s2], [sflag:$0x2] =	stream.linear.gather [hbm4b:s0+s2], $0x80, $0x38;
	[tilespmem:$0x10080] =	vst v63  }
0x1a: {  	_ =	swait.ge [sflag:s8], $0x80  }
0x1b: {  	[sflag:s8] =	ssyncset.done $0x0  }
0x1c: {  	[sflag:s8] =	ssyncadd.s32 $0xFFFFFF80  }
0x1d: {  	v3 =	vld [tilespmem:$0x0];
	_ =	sdelay $0x4  }
0x1e: {  	v4 =	vshll.u32 v3, $0x3  }
0x1f: {  	v3 =	vand.u32 $0x7, v3;
	v4 =	vand.u32 $0xFFFFFFC0, v4  }
0x20: {  	v3 =	vor.u32 v3, v4  }
0x21: {  	v4 =	vperm.xlane v3, v0;
	_ =	sdelay $0x1  }
0x22: {  	v4 =	vadd.s32 v1, v4;
	_ =	sdelay $0x4  }
0x23: {  	[tilespmem:s9], [sflag:$0x1] =	stream.indirect_vreg.gather [hbm4b:s3+s2], $0x80, v4, vm0, $0xb8;
	[tilespmem:$0x10080] =	vst v63  }
0x24: {  	s0 =	rddreg [dreg:$0x5];
	v3 =	vperm.xlane v3, v2  }
0x25: {  	[tilespmem:s0], [sflag:$0x1] =	stream.indirect_vreg.gather [hbm4b:s4+s2], $0x80, v4, vm0, $0xb8;
	[tilespmem:$0x10080] =	vst v63  }
0x26: {  	s10 =	rddreg [dreg:$0x6];
	v3 =	vadd.s32 v1, v3  }
0x27: {  	[tilespmem:s10], [sflag:$0x1] =	stream.indirect_vreg.gather [hbm4b:s5+s2], $0x80, v4, vm0, $0xb8;
	[tilespmem:$0x10080] =	vst v63  }
0x28: {  	s0 =	rddreg [dreg:$0x7]  }
0x29: {  	[tilespmem:s0], [sflag:$0x1] =	stream.indirect_vreg.gather [hbm4b:s6+s2], $0x80, v4, vm0, $0xb8;
	[tilespmem:$0x10080] =	vst v63  }
0x2a: {  	s10 =	rddreg [dreg:$0x8]  }
0x2b: {  	[tilespmem:s10], [sflag:$0x1] =	stream.indirect_vreg.gather [hbm4b:s3+s2], $0x80, v3, vm0, $0xb8;
	[tilespmem:$0x10080] =	vst v63  }
0x2c: {  	s0 =	rddreg [dreg:$0x9]  }
0x2d: {  	[tilespmem:s0], [sflag:$0x1] =	stream.indirect_vreg.gather [hbm4b:s4+s2], $0x80, v3, vm0, $0xb8;
	[tilespmem:$0x10080] =	vst v63  }
0x2e: {  	s10 =	rddreg [dreg:$0xa]  }
0x2f: {  	[tilespmem:s10], [sflag:$0x1] =	stream.indirect_vreg.gather [hbm4b:s5+s2], $0x80, v3, vm0, $0xb8;
	[tilespmem:$0x10080] =	vst v63  }
0x30: {  	s0 =	rddreg [dreg:$0xb]  }
0x31: {  	[tilespmem:s0], [sflag:$0x1] =	stream.indirect_vreg.gather [hbm4b:s6+s2], $0x80, v3, vm0, $0xb8;
	[tilespmem:$0x10080] =	vst v63  }
0x32: {  	v3 =	vld [tilespmem:$0x10];
	_ =	sdelay $0x4  }
0x33: {  	v61 =	vshll.u32 v3, $0x3  }
0x34: {  	v3 =	vand.u32 $0x7, v3;
	v4 =	vand.u32 $0xFFFFFFC0, v61  }
0x35: {  	v3 =	vor.u32 v3, v4  }
0x36: {  	v4 =	vperm.xlane v3, v0;
	_ =	sdelay $0x1  }
0x37: {  	v4 =	vadd.s32 v1, v4;
	_ =	sdelay $0x3  }
0x38: {  	s0 =	rddreg [dreg:$0xc]  }
0x39: {  	[tilespmem:s0], [sflag:$0x1] =	stream.indirect_vreg.gather [hbm4b:s3+s2], $0x80, v4, vm0, $0xb8;
	[tilespmem:$0x10080] =	vst v63  }
0x3a: {  	s10 =	rddreg [dreg:$0xd];
	v3 =	vperm.xlane v3, v2  }
0x3b: {  	[tilespmem:s10], [sflag:$0x1] =	stream.indirect_vreg.gather [hbm4b:s4+s2], $0x80, v4, vm0, $0xb8;
	[tilespmem:$0x10080] =	vst v63  }
0x3c: {  	v3 =	vadd.s32 v1, v3;
	s0 =	rddreg [dreg:$0xe]  }
0x3d: {  	[tilespmem:s0], [sflag:$0x1] =	stream.indirect_vreg.gather [hbm4b:s5+s2], $0x80, v4, vm0, $0xb8;
	[tilespmem:$0x10080] =	vst v63  }
0x3e: {  	s10 =	simm.s32 $0x5880  }
0x3f: {  	[tilespmem:s10], [sflag:$0x1] =	stream.indirect_vreg.gather [hbm4b:s6+s2], $0x80, v4, vm0, $0xb8;
	[tilespmem:$0x10080] =	vst v63  }
0x40: {  	_ = 	snop  }
0x41: {  	[tilespmem:s11], [sflag:$0x1] =	stream.indirect_vreg.gather [hbm4b:s3+s2], $0x80, v3, vm0, $0xb8;
	[tilespmem:$0x10080] =	vst v63  }
0x42: {  	_ = 	snop  }
0x43: {  	[tilespmem:s12], [sflag:$0x1] =	stream.indirect_vreg.gather [hbm4b:s4+s2], $0x80, v3, vm0, $0xb8;
	[tilespmem:$0x10080] =	vst v63  }
0x44: {  	_ = 	snop  }
0x45: {  	[tilespmem:s13], [sflag:$0x1] =	stream.indirect_vreg.gather [hbm4b:s5+s2], $0x80, v3, vm0, $0xb8;
	[tilespmem:$0x10080] =	vst v63  }
0x46: {  	_ = 	snop  }
0x47: {  	[tilespmem:s14], [sflag:$0x1] =	stream.indirect_vreg.gather [hbm4b:s6+s2], $0x80, v3, vm0, $0xb8;
	[tilespmem:$0x10080] =	vst v63  }
0x48: {  	v3 =	vld [tilespmem:$0x20];
	_ =	sdelay $0x4  }
0x49: {  	v62 =	vshll.u32 v3, $0x3  }
0x4a: {  	v3 =	vand.u32 $0x7, v3;
	v4 =	vand.u32 $0xFFFFFFC0, v62  }
0x4b: {  	v3 =	vor.u32 v3, v4  }
0x4c: {  	v4 =	vperm.xlane v3, v0;
	_ =	sdelay $0x1  }
0x4d: {  	v4 =	vadd.s32 v1, v4;
	_ =	sdelay $0x4  }
0x4e: {  	[tilespmem:s15], [sflag:$0x1] =	stream.indirect_vreg.gather [hbm4b:s3+s2], $0x80, v4, vm0, $0xb8;
	[tilespmem:$0x10080] =	vst v63  }
0x4f: {  	v3 =	vperm.xlane v3, v2  }
0x50: {  	[tilespmem:s16], [sflag:$0x1] =	stream.indirect_vreg.gather [hbm4b:s4+s2], $0x80, v4, vm0, $0xb8;
	[tilespmem:$0x10080] =	vst v63  }
0x51: {  	v3 =	vadd.s32 v1, v3  }
0x52: {  	[tilespmem:s17], [sflag:$0x1] =	stream.indirect_vreg.gather [hbm4b:s5+s2], $0x80, v4, vm0, $0xb8;
	[tilespmem:$0x10080] =	vst v63  }
0x53: {  	_ = 	snop  }
0x54: {  	[tilespmem:s18], [sflag:$0x1] =	stream.indirect_vreg.gather [hbm4b:s6+s2], $0x80, v4, vm0, $0xb8;
	[tilespmem:$0x10080] =	vst v63  }
0x55: {  	_ = 	snop  }
0x56: {  	[tilespmem:s19], [sflag:$0x1] =	stream.indirect_vreg.gather [hbm4b:s3+s2], $0x80, v3, vm0, $0xb8;
	[tilespmem:$0x10080] =	vst v63  }
0x57: {  	_ = 	snop  }
0x58: {  	[tilespmem:s20], [sflag:$0x1] =	stream.indirect_vreg.gather [hbm4b:s4+s2], $0x80, v3, vm0, $0xb8;
	[tilespmem:$0x10080] =	vst v63  }
0x59: {  	_ = 	snop  }
0x5a: {  	[tilespmem:s21], [sflag:$0x1] =	stream.indirect_vreg.gather [hbm4b:s5+s2], $0x80, v3, vm0, $0xb8;
	[tilespmem:$0x10080] =	vst v63  }
0x5b: {  	_ = 	snop  }
0x5c: {  	[tilespmem:s22], [sflag:$0x1] =	stream.indirect_vreg.gather [hbm4b:s6+s2], $0x80, v3, vm0, $0xb8;
	[tilespmem:$0x10080] =	vst v63  }
0x5d: {  	v3 =	vld [tilespmem:$0x30];
	_ =	sdelay $0x4  }
0x5e: {  	v63 =	vshll.u32 v3, $0x3  }
0x5f: {  	v3 =	vand.u32 $0x7, v3;
	v4 =	vand.u32 $0xFFFFFFC0, v63  }
0x60: {  	v3 =	vor.u32 v3, v4  }
0x61: {  	v4 =	vperm.xlane v3, v0;
	_ =	sdelay $0x1  }
0x62: {  	v4 =	vadd.s32 v1, v4;
	_ =	sdelay $0x4  }
0x63: {  	[tilespmem:s23], [sflag:$0x1] =	stream.indirect_vreg.gather [hbm4b:s3+s2], $0x80, v4, vm0, $0xb8;
	[tilespmem:$0x10080] =	vst v63  }
0x64: {  	v3 =	vperm.xlane v3, v2  }
0x65: {  	[tilespmem:s24], [sflag:$0x1] =	stream.indirect_vreg.gather [hbm4b:s4+s2], $0x80, v4, vm0, $0xb8;
	[tilespmem:$0x10080] =	vst v63  }
0x66: {  	v3 =	vadd.s32 v1, v3  }
0x67: {  	[tilespmem:s25], [sflag:$0x1] =	stream.indirect_vreg.gather [hbm4b:s5+s2], $0x80, v4, vm0, $0xb8;
	[tilespmem:$0x10080] =	vst v63  }
0x68: {  	_ = 	snop  }
0x69: {  	[tilespmem:s26], [sflag:$0x1] =	stream.indirect_vreg.gather [hbm4b:s6+s2], $0x80, v4, vm0, $0xb8;
	[tilespmem:$0x10080] =	vst v63  }
0x6a: {  	_ = 	snop  }
0x6b: {  	[tilespmem:s28], [sflag:$0x1] =	stream.indirect_vreg.gather [hbm4b:s3+s2], $0x80, v3, vm0, $0xb8;
	[tilespmem:$0x10080] =	vst v63  }
0x6c: {  	_ = 	snop  }
0x6d: {  	[tilespmem:s29], [sflag:$0x1] =	stream.indirect_vreg.gather [hbm4b:s4+s2], $0x80, v3, vm0, $0xb8;
	[tilespmem:$0x10080] =	vst v63  }
0x6e: {  	_ = 	snop  }
0x6f: {  	[tilespmem:s30], [sflag:$0x1] =	stream.indirect_vreg.gather [hbm4b:s5+s2], $0x80, v3, vm0, $0xb8;
	[tilespmem:$0x10080] =	vst v63  }
0x70: {  	_ = 	snop  }
0x71: {  	[tilespmem:s31], [sflag:$0x1] =	stream.indirect_vreg.gather [hbm4b:s6+s2], $0x80, v3, vm0, $0xb8;
	[tilespmem:$0x10080] =	vst v63  }
0x72: {  	_ =	swait.ge [sflag:s1], $0x10000  }
0x73: {  	p0 =	sne.s32 s7, $0x1;
	[sflag:s1] =	ssyncset.done $0x0  }
.Ltmp0:
0x74: {  	s10 =	rddreg [dreg:$0x4];
	[sflag:s1] =	ssyncadd.s32 $0xFFFF0000;
	(pc) =	sbr.rel @p0 .LBB2_1-.Ltmp0, $4  }
0x75: {  	[hbm4b:s10+s2] =	stream.linear.scatter [tilespmem:s9], [sflag:$0x2], $0x10000, $0x38;
	[tilespmem:$0x10080] =	vst v63  }
0x76: {  	_ =	swait.ge [sflag:s8], $0x10000  }
0x77: {  	[sflag:s8] =	ssyncset.done $0x0  }
0x78: {  	s7 =	sadd.s32 $0xFFFFFFFF, s7;
	[sflag:s8] =	ssyncadd.s32 $0xFFFF0000  }
0x79: {  	_ =	sfence.sel $0x180000  }
0x7a: {  	[bflag:$0x0] =	sbarrier.arrive $0xFFFF  }
0x7b: {  	_ =	strace $0x9000004A  }
0x7c: {  	s0 =	stileid.u32;
	[bflag:$0x2] =	sbarrier.arrive $0xFFFF  }
0x7d: {  	p0 =	sne.s32 s0, $0x0;
	s0 =	rddreg [dreg:$0x2]  }
0x7e: {  	s0 =	sadd.s32 @!p0 $0x100000, s0  }
0x7f: {  	[sflag:s0] =	ssyncadd.tile.s32 @!p0 $0x1;
	_ =	shalt  }
.Lfunc_end2:
_tile_overlayer_lowered:
.L_overlay_start_2:
0x80: {  	(tag) =	ssettag $0x2  }
0x81: {  	s0 =	rddreg [dreg:$0x0];
	s2 =	stileid.u32  }
0x82: {  	s1 =	rddreg [dreg:$0x1];
	p0 =	sne.s32 s2, $0x0  }
0x83: {  	s3 =	rddreg [dreg:$0x2];
	[bflag:$0x3] =	sbarrier.arrive $0xFFFF;
	s2 =	simm.s32 @!p0 $0x1C02  }
0x84: {  	[timem:s3], [sflag:s2] =	dma.local @!p0 [hbm:s0], s1  }
0x85: {  	s0 =	simm.s32 @!p0 $0x2  }
0x86: {  	_ =	swait.ge @!p0 [sflag:s0], s1  }
0x87: {  	s1 =	ssub.s32 @!p0 $0x0, s1;
	[sflag:s0] =	ssyncset.done @!p0 $0x0  }
0x88: {  	[sflag:s0] =	ssyncadd.s32 @!p0 s1  }
0x89: {  	[bflag:$0x3] =	sbarrier.arrive $0xFFFF  }
0x8a: {  	_ =	shalt  }

</sc_bundles>
